<compile_context>
chip_gen: v7x
topology: tpu7x:2x2x1
jax: 0.10.2.dev20260603
libtpu: 0.0.44.dev20260713+nightly
codegen_flags: <defaults>
</compile_context>

<pallas_src>
import jax
import jax.numpy as jnp
from jax import lax
from jax.experimental import pallas as pl
from jax.experimental.pallas import tpu as pltpu
from jax.experimental.pallas import tpu_sc as plsc

N = 50000
M = 32
NMOL = 500
RC = 4.6
FACTOR = 13.605693122994 * 0.52917721092

R = 400
SP = 32
NCHUNK = N // R
NW = 32
KMAX = (NCHUNK + NW - 1) // NW
NGROUP = R // 16
ACCP = 512


def _body(chg_hbm, w_hbm, idx_hbm, mol_hbm, out_hbm,
          chg_v, w0_v, w1_v, i0_v, i1_v, m0_v, m1_v,
          acc_v, tmp_v, shared, shared_chg, semc, sem0, sem1):
    cid = lax.axis_index("c")
    sid = lax.axis_index("s")
    wid = sid * 2 + cid

    w_buf = (w0_v, w1_v)
    i_buf = (i0_v, i1_v)
    m_buf = (m0_v, m1_v)
    sems = (sem0, sem1)

    @pl.when(sid == 0)
    def _():
        pltpu.async_copy(chg_hbm, shared_chg, semc)

    def chunk_srcs(chunk_id):
        row0 = chunk_id * R
        return (
            w_hbm.at[pl.ds(pl.multiple_of(row0 * SP, 8), R * SP)],
            idx_hbm.at[pl.ds(pl.multiple_of(row0 * SP, 8), R * SP)],
            mol_hbm.at[pl.ds(pl.multiple_of(row0, 8), R)],
        )

    def fire_chunk(k, slot):
        chunk_id = wid + k * NW

        @pl.when(chunk_id < NCHUNK)
        def _():
            ws, isrc, ms = chunk_srcs(chunk_id)
            pltpu.async_copy(ws, w_buf[slot], sems[slot])
            pltpu.async_copy(isrc, i_buf[slot], sems[slot])
            pltpu.async_copy(ms, m_buf[slot], sems[slot])

    fire_chunk(0, 0)
    fire_chunk(1, 1)

    zero16 = jnp.zeros((16,), jnp.float32)

    def zero_body(i, _):
        acc_v[pl.ds(pl.multiple_of(i * 16, 16), 16)] = zero16
        return 0

    lax.fori_loop(0, ACCP // 16, zero_body, 0)

    iota = lax.iota(jnp.int32, 16)
    iotasp = iota * SP

    @pl.when(sid == 0)
    def _():
        pltpu.make_async_copy(chg_hbm, shared_chg, semc).wait()

    plsc.subcore_barrier()
    pltpu.sync_copy(shared_chg, chg_v)

    def compute_chunk(chunk_id, slot):
        row0 = chunk_id * R
        wv_ref, iv_ref, mv_ref = w_buf[slot], i_buf[slot], m_buf[slot]

        def group_body(g, _):
            goff = g * (16 * SP)

            @plsc.parallel_loop(0, M, unroll=8, carry=zero16)
            def s(m, acc16):
                ids = iotasp + (goff + m)
                idxv = plsc.load_gather(iv_ref, [ids])
                dv = plsc.load_gather(wv_ref, [ids])
                qj = plsc.load_gather(chg_v, [idxv])
                x2 = dv * dv * jnp.float32(1.0 / (RC * RC))
                inside = x2 < 1.0
                denom = jnp.where(inside, x2 - 1.0, jnp.float32(-1.0))
                fc = jnp.where(inside, 1.0 - jnp.exp(x2 / denom),
                               jnp.float32(1.0))
                return acc16 + fc * qj / dv

            g16 = g * 16
            qi = chg_v[pl.ds(pl.multiple_of(row0 + g16, 16), 16)]
            e_atom = s * qi * jnp.float32(FACTOR)
            cs = plsc.cumsum(e_atom)
            molv = mv_ref[pl.ds(pl.multiple_of(g16, 16), 16)]
            nxt = jnp.minimum(iota + (g16 + 1), R - 1)
            moln = plsc.load_gather(mv_ref, [nxt])
            change = molv != moln
            is15 = iota == 15
            endm = change | is15
            boundm = change & jnp.logical_not(is15)
            plsc.addupdate_scatter(acc_v, [molv], cs, mask=endm)
            plsc.addupdate_scatter(acc_v, [moln], -cs, mask=boundm)
            return 0

        lax.fori_loop(0, NGROUP, group_body, 0)

    for k in range(KMAX):
        slot = k % 2
        chunk_id = wid + k * NW

        @pl.when(chunk_id < NCHUNK)
        def _():
            ws, isrc, ms = chunk_srcs(chunk_id)
            pltpu.make_async_copy(ws, w_buf[slot], sems[slot]).wait()
            pltpu.make_async_copy(isrc, i_buf[slot], sems[slot]).wait()
            pltpu.make_async_copy(ms, m_buf[slot], sems[slot]).wait()
            compute_chunk(chunk_id, slot)

        if k + 2 < KMAX:
            fire_chunk(k + 2, slot)

    pltpu.sync_copy(acc_v, shared.at[pl.ds(pl.multiple_of(sid * ACCP, 8), ACCP)])
    plsc.subcore_barrier()

    @pl.when(sid == 0)
    def _():
        pltpu.sync_copy(shared, tmp_v)

        def add_body(i, _):
            i16 = i * 16
            v = tmp_v[pl.ds(pl.multiple_of(i16, 16), 16)]
            for t in range(1, 16):
                v = v + tmp_v[pl.ds(pl.multiple_of(t * ACCP + i16, 16), 16)]
            acc_v[pl.ds(pl.multiple_of(i16, 16), 16)] = v
            return 0

        lax.fori_loop(0, ACCP // 16, add_body, 0)
        pltpu.sync_copy(acc_v, out_hbm.at[cid])


@jax.jit
def _coulomb_sc(charges, w_flat, idx_flat, mol):
    mesh = plsc.VectorSubcoreMesh(core_axis_name="c", subcore_axis_name="s")
    fn = pl.kernel(
        _body,
        out_type=jax.ShapeDtypeStruct((2, ACCP), jnp.float32),
        mesh=mesh,
        compiler_params=pltpu.CompilerParams(needs_layout_passes=False),
        scratch_types=[
            pltpu.VMEM((N,), jnp.float32),
            pltpu.VMEM((R * SP,), jnp.float32),
            pltpu.VMEM((R * SP,), jnp.float32),
            pltpu.VMEM((R * SP,), jnp.int32),
            pltpu.VMEM((R * SP,), jnp.int32),
            pltpu.VMEM((R,), jnp.int32),
            pltpu.VMEM((R,), jnp.int32),
            pltpu.VMEM((ACCP,), jnp.float32),
            pltpu.VMEM((16 * ACCP,), jnp.float32),
            pltpu.VMEM_SHARED((16 * ACCP,), jnp.float32),
            pltpu.VMEM_SHARED((N,), jnp.float32),
            pltpu.SemaphoreType.DMA,
            pltpu.SemaphoreType.DMA,
            pltpu.SemaphoreType.DMA,
        ],
    )
    return fn(charges, w_flat, idx_flat, mol)


@jax.jit
def kernel(charges, d_ij, idx_j, mol_idx):
    charges = charges.astype(jnp.float32)
    d_flat = d_ij.astype(jnp.float32).reshape(-1)
    idx_flat = idx_j.astype(jnp.int32).reshape(-1)
    mol = mol_idx.astype(jnp.int32)
    out = _coulomb_sc(charges, d_flat, idx_flat, mol)
    return (out[0] + out[1])[:NMOL]

# --- scband reference (transcript-rebuilt; emitter-appended) ---
"""Pipeline reference for scband-lrcoulomb-85882166051078 (READ-ONLY COPY).

The authoritative reference and input builder live on the scoring server;
editing this copy changes nothing except your own understanding.
"""

import jax, jax.numpy as jnp
import numpy as np

N = 50000
M = 32
NMOL = 500
RC = 4.6
# constants.half_Hartree * constants.Bohr (eV * Angstrom)
FACTOR = 13.605693122994 * 0.52917721092


def exp_cutoff(d, rc):
    # smooth exponential cutoff: 1 at d=0, -> 0 as d -> rc, 0 beyond
    x = d / rc
    x2 = x * x
    inside = x < 1.0
    denom = jnp.where(inside, x2 - 1.0, -1.0)  # safe denominator
    fc = jnp.where(inside, jnp.exp(x2 / denom), 0.0)
    return fc


def setup_inputs(seed: int = 0) -> dict:
    key = jax.random.key(seed)
    k1, k2, k3, k4 = jax.random.split(key, 4)
    charges = jax.random.normal(k1, (N,), dtype=jnp.float32) * 0.5
    # distances in (1, 10) Angstrom to avoid division by ~0
    d_ij = jax.random.uniform(k2, (N, M), dtype=jnp.float32) * 9.0 + 1.0
    idx_j = jax.random.randint(k3, (N, M), 0, N, dtype=jnp.int64)
    mol_idx = jnp.sort(jax.random.randint(k4, (N,), 0, NMOL, dtype=jnp.int64))
    return {"charges": charges, "d_ij": d_ij, "idx_j": idx_j, "mol_idx": mol_idx}


def reference(charges, d_ij, idx_j, mol_idx):
    # coul_simple branch of LRCoulomb.forward
    q_i = charges[:, None]                      # nbops.get_ij -> q_i
    q_j = charges[idx_j]                        # neighbor gather -> q_j
    q_ij = q_i * q_j
    fc = 1.0 - exp_cutoff(d_ij, RC)
    e_ij = fc * q_ij / d_ij                     # pairwise coulomb energy
    e_atom = jnp.sum(e_ij, axis=-1)             # sum over neighbors
    # nbops.mol_sum: per-molecule segment sum
    e = FACTOR * jax.ops.segment_sum(e_atom, mol_idx, num_segments=NMOL)
    return e

if __name__ == "__main__":
    import jax
    _d = setup_inputs()
    print(jax.jit(kernel)(*tuple(_d.values())))

</pallas_src>

<mosaic_0001>
#map = affine_map<(d0, d1) -> (0)>
#map1 = affine_map<(d0, d1) -> (0, 0)>
module attributes {stable_mosaic.version = 14 : i64} {
  func.func @_body(%arg0: i32, %arg1: i32, %arg2: memref<50000xf32, #tpu.memory_space<hbm>>, %arg3: memref<1600000xf32, #tpu.memory_space<hbm>>, %arg4: memref<1600000xi32, #tpu.memory_space<hbm>>, %arg5: memref<50000xi32, #tpu.memory_space<hbm>>, %arg6: memref<2x512xf32, #tpu.memory_space<hbm>>, %arg7: memref<50000xf32, #tpu.memory_space<vmem>>, %arg8: memref<12800xf32, #tpu.memory_space<vmem>>, %arg9: memref<12800xf32, #tpu.memory_space<vmem>>, %arg10: memref<12800xi32, #tpu.memory_space<vmem>>, %arg11: memref<12800xi32, #tpu.memory_space<vmem>>, %arg12: memref<400xi32, #tpu.memory_space<vmem>>, %arg13: memref<400xi32, #tpu.memory_space<vmem>>, %arg14: memref<512xf32, #tpu.memory_space<vmem>>, %arg15: memref<8192xf32, #tpu.memory_space<vmem>>, %arg16: memref<8192xf32, #tpu.memory_space<vmem_shared>>, %arg17: memref<50000xf32, #tpu.memory_space<vmem_shared>>, %arg18: memref<!tpu.dma_semaphore, #tpu.memory_space<semaphore_mem>>, %arg19: memref<!tpu.dma_semaphore, #tpu.memory_space<semaphore_mem>>, %arg20: memref<!tpu.dma_semaphore, #tpu.memory_space<semaphore_mem>>) attributes {dimension_semantics = [#tpu.dimension_semantics<core_parallel>, #tpu.dimension_semantics<subcore_parallel>], iteration_bounds = array<i64: 2, 16>, scalar_prefetch = 0 : i64, scratch_operands = 14 : i64, tpu.core_type = #tpu.core_type<sc_vector_subcore>, window_params = [{transform_indices = #map}, {transform_indices = #map}, {transform_indices = #map}, {transform_indices = #map}, {transform_indices = #map1}]} {
    %mul3A = arith.constant 2 : i32
    %mul3A_0 = arith.muli %arg1, %mul3A : i32
    %add3A = arith.addi %mul3A_0, %arg0 : i32
    %eq3A = arith.constant 0 : i32
    %eq3A_1 = arith.cmpi eq, %arg1, %eq3A : i32
    %convert_element_type3A = arith.extui %eq3A_1 : i1 to i32
    %cond3A = arith.constant 0 : i32
    %cond3A_2 = arith.cmpi ne, %convert_element_type3A, %cond3A : i32
    scf.if %cond3A_2 {
      tpu.enqueue_dma source(%arg2 : memref<50000xf32, #tpu.memory_space<hbm>>) target(%arg17 : memref<50000xf32, #tpu.memory_space<vmem_shared>>) target_semaphore(%arg18 : memref<!tpu.dma_semaphore, #tpu.memory_space<semaphore_mem>>)
    } else {
    }
    %add3A_3 = arith.constant 0 : i32
    %add3A_4 = arith.addi %add3A, %add3A_3 : i32
    %lt3A = arith.constant 125 : i32
    %lt3A_5 = arith.cmpi slt, %add3A_4, %lt3A : i32
    %convert_element_type3A_6 = arith.extui %lt3A_5 : i1 to i32
    %cond3A_7 = arith.constant 0 : i32
    %cond3A_8 = arith.cmpi ne, %convert_element_type3A_6, %cond3A_7 : i32
    scf.if %cond3A_8 {
      %mul3A_81 = arith.constant 400 : i32
      %mul3A_82 = arith.muli %add3A_4, %mul3A_81 : i32
      %mul3A_83 = arith.constant 32 : i32
      %mul3A_84 = arith.muli %mul3A_82, %mul3A_83 : i32
      %multiple_of3A_85 = tpu.assume_multiple %mul3A_84, 8 : i32
      %mul3A_86 = arith.constant 32 : i32
      %mul3A_87 = arith.muli %mul3A_82, %mul3A_86 : i32
      %multiple_of3A_88 = tpu.assume_multiple %mul3A_87, 8 : i32
      %multiple_of3A_89 = tpu.assume_multiple %mul3A_82, 8 : i32
      %dma_start3A = tpu.memref_slice %arg3[%multiple_of3A_85] : memref<1600000xf32, #tpu.memory_space<hbm>> -> memref<12800xf32, #tpu.memory_space<hbm>>
      %dma_start3A_90 = tpu.memref_slice %arg3[%multiple_of3A_85] : memref<1600000xf32, #tpu.memory_space<hbm>> -> memref<12800xf32, #tpu.memory_space<hbm>>
      tpu.enqueue_dma source(%dma_start3A_90 : memref<12800xf32, #tpu.memory_space<hbm>>) target(%arg8 : memref<12800xf32, #tpu.memory_space<vmem>>) target_semaphore(%arg19 : memref<!tpu.dma_semaphore, #tpu.memory_space<semaphore_mem>>)
      %dma_start3A_91 = tpu.memref_slice %arg4[%multiple_of3A_88] : memref<1600000xi32, #tpu.memory_space<hbm>> -> memref<12800xi32, #tpu.memory_space<hbm>>
      %dma_start3A_92 = tpu.memref_slice %arg4[%multiple_of3A_88] : memref<1600000xi32, #tpu.memory_space<hbm>> -> memref<12800xi32, #tpu.memory_space<hbm>>
      tpu.enqueue_dma source(%dma_start3A_92 : memref<12800xi32, #tpu.memory_space<hbm>>) target(%arg10 : memref<12800xi32, #tpu.memory_space<vmem>>) target_semaphore(%arg19 : memref<!tpu.dma_semaphore, #tpu.memory_space<semaphore_mem>>)
      %dma_start3A_93 = tpu.memref_slice %arg5[%multiple_of3A_89] : memref<50000xi32, #tpu.memory_space<hbm>> -> memref<400xi32, #tpu.memory_space<hbm>>
      %dma_start3A_94 = tpu.memref_slice %arg5[%multiple_of3A_89] : memref<50000xi32, #tpu.memory_space<hbm>> -> memref<400xi32, #tpu.memory_space<hbm>>
      tpu.enqueue_dma source(%dma_start3A_94 : memref<400xi32, #tpu.memory_space<hbm>>) target(%arg12 : memref<400xi32, #tpu.memory_space<vmem>>) target_semaphore(%arg19 : memref<!tpu.dma_semaphore, #tpu.memory_space<semaphore_mem>>)
    } else {
    }
    %add3A_9 = arith.constant 32 : i32
    %add3A_10 = arith.addi %add3A, %add3A_9 : i32
    %lt3A_11 = arith.constant 125 : i32
    %lt3A_12 = arith.cmpi slt, %add3A_10, %lt3A_11 : i32
    %convert_element_type3A_13 = arith.extui %lt3A_12 : i1 to i32
    %cond3A_14 = arith.constant 0 : i32
    %cond3A_15 = arith.cmpi ne, %convert_element_type3A_13, %cond3A_14 : i32
    scf.if %cond3A_15 {
      %mul3A_81 = arith.constant 400 : i32
      %mul3A_82 = arith.muli %add3A_10, %mul3A_81 : i32
      %mul3A_83 = arith.constant 32 : i32
      %mul3A_84 = arith.muli %mul3A_82, %mul3A_83 : i32
      %multiple_of3A_85 = tpu.assume_multiple %mul3A_84, 8 : i32
      %mul3A_86 = arith.constant 32 : i32
      %mul3A_87 = arith.muli %mul3A_82, %mul3A_86 : i32
      %multiple_of3A_88 = tpu.assume_multiple %mul3A_87, 8 : i32
      %multiple_of3A_89 = tpu.assume_multiple %mul3A_82, 8 : i32
      %dma_start3A = tpu.memref_slice %arg3[%multiple_of3A_85] : memref<1600000xf32, #tpu.memory_space<hbm>> -> memref<12800xf32, #tpu.memory_space<hbm>>
      %dma_start3A_90 = tpu.memref_slice %arg3[%multiple_of3A_85] : memref<1600000xf32, #tpu.memory_space<hbm>> -> memref<12800xf32, #tpu.memory_space<hbm>>
      tpu.enqueue_dma source(%dma_start3A_90 : memref<12800xf32, #tpu.memory_space<hbm>>) target(%arg9 : memref<12800xf32, #tpu.memory_space<vmem>>) target_semaphore(%arg20 : memref<!tpu.dma_semaphore, #tpu.memory_space<semaphore_mem>>)
      %dma_start3A_91 = tpu.memref_slice %arg4[%multiple_of3A_88] : memref<1600000xi32, #tpu.memory_space<hbm>> -> memref<12800xi32, #tpu.memory_space<hbm>>
      %dma_start3A_92 = tpu.memref_slice %arg4[%multiple_of3A_88] : memref<1600000xi32, #tpu.memory_space<hbm>> -> memref<12800xi32, #tpu.memory_space<hbm>>
      tpu.enqueue_dma source(%dma_start3A_92 : memref<12800xi32, #tpu.memory_space<hbm>>) target(%arg11 : memref<12800xi32, #tpu.memory_space<vmem>>) target_semaphore(%arg20 : memref<!tpu.dma_semaphore, #tpu.memory_space<semaphore_mem>>)
      %dma_start3A_93 = tpu.memref_slice %arg5[%multiple_of3A_89] : memref<50000xi32, #tpu.memory_space<hbm>> -> memref<400xi32, #tpu.memory_space<hbm>>
      %dma_start3A_94 = tpu.memref_slice %arg5[%multiple_of3A_89] : memref<50000xi32, #tpu.memory_space<hbm>> -> memref<400xi32, #tpu.memory_space<hbm>>
      tpu.enqueue_dma source(%dma_start3A_94 : memref<400xi32, #tpu.memory_space<hbm>>) target(%arg13 : memref<400xi32, #tpu.memory_space<vmem>>) target_semaphore(%arg20 : memref<!tpu.dma_semaphore, #tpu.memory_space<semaphore_mem>>)
    } else {
    }
    %broadcast_in_dim3A = arith.constant 0.000000e+00 : f32
    %broadcast_in_dim3A_16 = vector.broadcast %broadcast_in_dim3A : f32 to vector<16xf32>
    %scan3A = arith.constant 0 : i32
    %scan3A_17 = arith.constant 0 : i32
    %scan3A_18 = arith.constant 32 : i32
    %scan3A_19 = arith.addi %scan3A_17, %scan3A_18 : i32
    %scan3A_20 = arith.constant 1 : i32
    %scan3A_21 = scf.for %scan3A_81 = %scan3A_17 to %scan3A_19 step %scan3A_20 iter_args(%scan3A_82 = %scan3A) -> (i32)  : i32 {
      %mul3A_83 = arith.constant 16 : i32
      %mul3A_84 = arith.muli %scan3A_81, %mul3A_83 : i32
      %multiple_of3A_85 = tpu.assume_multiple %mul3A_84, 16 : i32
      %swap3A = arith.index_cast %multiple_of3A_85 : i32 to index
      %swap3A_86 = tpu.vector_load %arg14[%swap3A] {strides = array<i32>} : memref<512xf32, #tpu.memory_space<vmem>>, vector<16xf32>,
      tpu.vector_store %arg14[%swap3A], %broadcast_in_dim3A_16 {strides = array<i32>} : memref<512xf32, #tpu.memory_space<vmem>>, vector<16xf32>,
      %scan3A_87 = arith.constant 0 : i32
      scf.yield %scan3A_87 : i32
    }
    %scan3A_22 = arith.constant 32 : i32
    %iota3A = tpu.iota {dimensions = array<i32: 0>} : vector<16xi32>
    %mul3A_23 = arith.constant 32 : i32
    %mul3A_24 = vector.broadcast %mul3A_23 : i32 to vector<16xi32>
    %mul3A_25 = arith.muli %iota3A, %mul3A_24 : vector<16xi32>
    %eq3A_26 = arith.constant 0 : i32
    %eq3A_27 = arith.cmpi eq, %arg1, %eq3A_26 : i32
    %convert_element_type3A_28 = arith.extui %eq3A_27 : i1 to i32
    %cond3A_29 = arith.constant 0 : i32
    %cond3A_30 = arith.cmpi ne, %convert_element_type3A_28, %cond3A_29 : i32
    scf.if %cond3A_30 {
      tpu.wait_dma2 semaphore(%arg18 : memref<!tpu.dma_semaphore, #tpu.memory_space<semaphore_mem>>) src(%arg2 : memref<50000xf32, #tpu.memory_space<hbm>>) dst(%arg17 : memref<50000xf32, #tpu.memory_space<vmem_shared>>)
    } else {
    }
    %barrier3A = arith.constant 0 : index
    tpu.barrier barrier_id(%barrier3A)
    "tpu.region"() ({
      %run_scoped3A = tpu.sem_alloc : memref<!tpu.dma_semaphore, #tpu.memory_space<semaphore_mem>>
      tpu.enqueue_dma source(%arg17 : memref<50000xf32, #tpu.memory_space<vmem_shared>>) target(%arg7 : memref<50000xf32, #tpu.memory_space<vmem>>) target_semaphore(%run_scoped3A : memref<!tpu.dma_semaphore, #tpu.memory_space<semaphore_mem>>)
      tpu.wait_dma2 semaphore(%run_scoped3A : memref<!tpu.dma_semaphore, #tpu.memory_space<semaphore_mem>>) src(%arg17 : memref<50000xf32, #tpu.memory_space<vmem_shared>>) dst(%arg7 : memref<50000xf32, #tpu.memory_space<vmem>>)
      tpu.yield
    }) : () -> ()
    %add3A_31 = arith.constant 0 : i32
    %add3A_32 = arith.addi %add3A, %add3A_31 : i32
    %lt3A_33 = arith.constant 125 : i32
    %lt3A_34 = arith.cmpi slt, %add3A_32, %lt3A_33 : i32
    %convert_element_type3A_35 = arith.extui %lt3A_34 : i1 to i32
    %cond3A_36 = arith.constant 0 : i32
    %cond3A_37 = arith.cmpi ne, %convert_element_type3A_35, %cond3A_36 : i32
    scf.if %cond3A_37 {
      %mul3A_81 = arith.constant 400 : i32
      %mul3A_82 = arith.muli %add3A_32, %mul3A_81 : i32
      %mul3A_83 = arith.constant 32 : i32
      %mul3A_84 = arith.muli %mul3A_82, %mul3A_83 : i32
      %multiple_of3A_85 = tpu.assume_multiple %mul3A_84, 8 : i32
      %mul3A_86 = arith.constant 32 : i32
      %mul3A_87 = arith.muli %mul3A_82, %mul3A_86 : i32
      %multiple_of3A_88 = tpu.assume_multiple %mul3A_87, 8 : i32
      %multiple_of3A_89 = tpu.assume_multiple %mul3A_82, 8 : i32
      %dma_wait3A = tpu.memref_slice %arg3[%multiple_of3A_85] : memref<1600000xf32, #tpu.memory_space<hbm>> -> memref<12800xf32, #tpu.memory_space<hbm>>
      %dma_wait3A_90 = tpu.memref_slice %arg3[%multiple_of3A_85] : memref<1600000xf32, #tpu.memory_space<hbm>> -> memref<12800xf32, #tpu.memory_space<hbm>>
      tpu.wait_dma2 semaphore(%arg19 : memref<!tpu.dma_semaphore, #tpu.memory_space<semaphore_mem>>) src(%dma_wait3A_90 : memref<12800xf32, #tpu.memory_space<hbm>>) dst(%arg8 : memref<12800xf32, #tpu.memory_space<vmem>>)
      %dma_wait3A_91 = tpu.memref_slice %arg4[%multiple_of3A_88] : memref<1600000xi32, #tpu.memory_space<hbm>> -> memref<12800xi32, #tpu.memory_space<hbm>>
      %dma_wait3A_92 = tpu.memref_slice %arg4[%multiple_of3A_88] : memref<1600000xi32, #tpu.memory_space<hbm>> -> memref<12800xi32, #tpu.memory_space<hbm>>
      tpu.wait_dma2 semaphore(%arg19 : memref<!tpu.dma_semaphore, #tpu.memory_space<semaphore_mem>>) src(%dma_wait3A_92 : memref<12800xi32, #tpu.memory_space<hbm>>) dst(%arg10 : memref<12800xi32, #tpu.memory_space<vmem>>)
      %dma_wait3A_93 = tpu.memref_slice %arg5[%multiple_of3A_89] : memref<50000xi32, #tpu.memory_space<hbm>> -> memref<400xi32, #tpu.memory_space<hbm>>
      %dma_wait3A_94 = tpu.memref_slice %arg5[%multiple_of3A_89] : memref<50000xi32, #tpu.memory_space<hbm>> -> memref<400xi32, #tpu.memory_space<hbm>>
      tpu.wait_dma2 semaphore(%arg19 : memref<!tpu.dma_semaphore, #tpu.memory_space<semaphore_mem>>) src(%dma_wait3A_94 : memref<400xi32, #tpu.memory_space<hbm>>) dst(%arg12 : memref<400xi32, #tpu.memory_space<vmem>>)
      %mul3A_95 = arith.constant 400 : i32
      %mul3A_96 = arith.muli %add3A_32, %mul3A_95 : i32
      %scan3A_97 = arith.constant 0 : i32
      %scan3A_98 = arith.constant 0 : i32
      %scan3A_99 = arith.constant 25 : i32
      %scan3A_100 = arith.addi %scan3A_98, %scan3A_99 : i32
      %scan3A_101 = arith.constant 1 : i32
      %scan3A_102 = scf.for %scan3A_104 = %scan3A_98 to %scan3A_100 step %scan3A_101 iter_args(%scan3A_105 = %scan3A_97) -> (i32)  : i32 {
        %mul3A_106 = arith.constant 512 : i32
        %mul3A_107 = arith.muli %scan3A_104, %mul3A_106 : i32
        %parallel_loop3A = arith.constant 0 : i32
        %parallel_loop3A_108 = arith.constant 32 : i32
        %parallel_loop3A_109 = arith.constant 1 : i32
        %parallel_loop3A_110 = scf.for %parallel_loop3A_138 = %parallel_loop3A to %parallel_loop3A_108 step %parallel_loop3A_109 iter_args(%parallel_loop3A_139 = %broadcast_in_dim3A_16) -> (vector<16xf32>)  : i32 {
          %parallel_loop3A_140 = arith.addi %mul3A_107, %parallel_loop3A_138 : i32
          %parallel_loop3A_141 = vector.broadcast %parallel_loop3A_140 : i32 to vector<16xi32>
          %parallel_loop3A_142 = arith.addi %mul3A_25, %parallel_loop3A_141 : vector<16xi32>
          %parallel_loop3A_143 = tpu.vector_load_idx %arg10[%parallel_loop3A_142] : memref<12800xi32, #tpu.memory_space<vmem>>[vector<16xi32>], vector<16xi32>,
          %parallel_loop3A_144 = tpu.vector_load_idx %arg8[%parallel_loop3A_142] : memref<12800xf32, #tpu.memory_space<vmem>>[vector<16xi32>], vector<16xf32>,
          %parallel_loop3A_145 = tpu.vector_load_idx %arg7[%parallel_loop3A_143] : memref<50000xf32, #tpu.memory_space<vmem>>[vector<16xi32>], vector<16xf32>,
          %parallel_loop3A_146 = arith.mulf %parallel_loop3A_144, %parallel_loop3A_144 : vector<16xf32>
          %parallel_loop3A_147 = arith.constant 0.0472589806 : f32
          %parallel_loop3A_148 = vector.broadcast %parallel_loop3A_147 : f32 to vector<16xf32>
          %parallel_loop3A_149 = arith.mulf %parallel_loop3A_146, %parallel_loop3A_148 : vector<16xf32>
          %parallel_loop3A_150 = arith.constant 1.000000e+00 : f32
          %parallel_loop3A_151 = vector.broadcast %parallel_loop3A_150 : f32 to vector<16xf32>
          %parallel_loop3A_152 = arith.cmpf olt, %parallel_loop3A_149, %parallel_loop3A_151 : vector<16xf32>
          %parallel_loop3A_153 = arith.constant 1.000000e+00 : f32
          %parallel_loop3A_154 = vector.broadcast %parallel_loop3A_153 : f32 to vector<16xf32>
          %parallel_loop3A_155 = arith.subf %parallel_loop3A_149, %parallel_loop3A_154 : vector<16xf32>
          %parallel_loop3A_156 = arith.constant -1.000000e+00 : f32
          %parallel_loop3A_157 = vector.broadcast %parallel_loop3A_156 : f32 to vector<16xf32>
          %parallel_loop3A_158 = arith.select %parallel_loop3A_152, %parallel_loop3A_155, %parallel_loop3A_157 : vector<16xi1>, vector<16xf32>
          %parallel_loop3A_159 = arith.divf %parallel_loop3A_149, %parallel_loop3A_158 : vector<16xf32>
          %parallel_loop3A_160 = math.exp %parallel_loop3A_159 : vector<16xf32>
          %parallel_loop3A_161 = arith.constant 1.000000e+00 : f32
          %parallel_loop3A_162 = vector.broadcast %parallel_loop3A_161 : f32 to vector<16xf32>
          %parallel_loop3A_163 = arith.subf %parallel_loop3A_162, %parallel_loop3A_160 : vector<16xf32>
          %parallel_loop3A_164 = arith.constant 1.000000e+00 : f32
          %parallel_loop3A_165 = vector.broadcast %parallel_loop3A_164 : f32 to vector<16xf32>
          %parallel_loop3A_166 = arith.select %parallel_loop3A_152, %parallel_loop3A_163, %parallel_loop3A_165 : vector<16xi1>, vector<16xf32>
          %parallel_loop3A_167 = arith.mulf %parallel_loop3A_166, %parallel_loop3A_145 : vector<16xf32>
          %parallel_loop3A_168 = arith.divf %parallel_loop3A_167, %parallel_loop3A_144 : vector<16xf32>
          %parallel_loop3A_169 = arith.addf %parallel_loop3A_139, %parallel_loop3A_168 : vector<16xf32>
          scf.yield %parallel_loop3A_169 : vector<16xf32>
        } {sc.loop_unroll_factor = 8 : i64, sc.parallel_access}
        %mul3A_111 = arith.constant 16 : i32
        %mul3A_112 = arith.muli %scan3A_104, %mul3A_111 : i32
        %add3A_113 = arith.addi %mul3A_96, %mul3A_112 : i32
        %multiple_of3A_114 = tpu.assume_multiple %add3A_113, 16 : i32
        %get3A = arith.index_cast %multiple_of3A_114 : i32 to index
        %get3A_115 = tpu.vector_load %arg7[%get3A] {strides = array<i32>} : memref<50000xf32, #tpu.memory_space<vmem>>, vector<16xf32>,
        %mul3A_116 = arith.mulf %parallel_loop3A_110, %get3A_115 : vector<16xf32>
        %mul3A_117 = arith.constant 7.1998229 : f32
        %mul3A_118 = vector.broadcast %mul3A_117 : f32 to vector<16xf32>
        %mul3A_119 = arith.mulf %mul3A_116, %mul3A_118 : vector<16xf32>
        %broadcast_in_dim3A_120 = arith.constant true
        %broadcast_in_dim3A_121 = vector.broadcast %broadcast_in_dim3A_120 : i1 to vector<16xi1>
        %masked_cumsum3A = tpu.scan <sum>, %mul3A_119 masked %broadcast_in_dim3A_121 : vector<16xf32>, vector<16xi1> -> vector<16xf32>
        %multiple_of3A_122 = tpu.assume_multiple %mul3A_112, 16 : i32
        %get3A_123 = arith.index_cast %multiple_of3A_122 : i32 to index
        %get3A_124 = tpu.vector_load %arg12[%get3A_123] {strides = array<i32>} : memref<400xi32, #tpu.memory_space<vmem>>, vector<16xi32>,
        %add3A_125 = arith.constant 1 : i32
        %add3A_126 = arith.addi %mul3A_112, %add3A_125 : i32
        %add3A_127 = vector.broadcast %add3A_126 : i32 to vector<16xi32>
        %add3A_128 = arith.addi %iota3A, %add3A_127 : vector<16xi32>
        %min3A = arith.constant 399 : i32
        %min3A_129 = vector.broadcast %min3A : i32 to vector<16xi32>
        %min3A_130 = arith.minsi %add3A_128, %min3A_129 : vector<16xi32>
        %gather3A = tpu.vector_load_idx %arg12[%min3A_130] : memref<400xi32, #tpu.memory_space<vmem>>[vector<16xi32>], vector<16xi32>,
        %ne3A = arith.cmpi ne, %get3A_124, %gather3A : vector<16xi32>
        %eq3A_131 = arith.constant 15 : i32
        %eq3A_132 = vector.broadcast %eq3A_131 : i32 to vector<16xi32>
        %eq3A_133 = arith.cmpi eq, %iota3A, %eq3A_132 : vector<16xi32>
        %or3A = arith.ori %ne3A, %eq3A_133 : vector<16xi1>
        %not3A = arith.constant dense<true> : vector<16xi1>
        %not3A_134 = arith.xori %eq3A_133, %not3A : vector<16xi1>
        %and3A = arith.andi %ne3A, %not3A_134 : vector<16xi1>
        tpu.vector_store_idx %arg14[%get3A_124], %masked_cumsum3A masked %or3A {add = true} : memref<512xf32, #tpu.memory_space<vmem>>[vector<16xi32>], vector<16xf32>, vector<16xi1>
        %neg3A = arith.constant 0.000000e+00 : f32
        %neg3A_135 = vector.broadcast %neg3A : f32 to vector<16xf32>
        %neg3A_136 = arith.subf %neg3A_135, %masked_cumsum3A : vector<16xf32>
        tpu.vector_store_idx %arg14[%gather3A], %neg3A_136 masked %and3A {add = true} : memref<512xf32, #tpu.memory_space<vmem>>[vector<16xi32>], vector<16xf32>, vector<16xi1>
        %scan3A_137 = arith.constant 0 : i32
        scf.yield %scan3A_137 : i32
      }
      %scan3A_103 = arith.constant 25 : i32
    } else {
    }
    %add3A_38 = arith.constant 64 : i32
    %add3A_39 = arith.addi %add3A, %add3A_38 : i32
    %lt3A_40 = arith.constant 125 : i32
    %lt3A_41 = arith.cmpi slt, %add3A_39, %lt3A_40 : i32
    %convert_element_type3A_42 = arith.extui %lt3A_41 : i1 to i32
    %cond3A_43 = arith.constant 0 : i32
    %cond3A_44 = arith.cmpi ne, %convert_element_type3A_42, %cond3A_43 : i32
    scf.if %cond3A_44 {
      %mul3A_81 = arith.constant 400 : i32
      %mul3A_82 = arith.muli %add3A_39, %mul3A_81 : i32
      %mul3A_83 = arith.constant 32 : i32
      %mul3A_84 = arith.muli %mul3A_82, %mul3A_83 : i32
      %multiple_of3A_85 = tpu.assume_multiple %mul3A_84, 8 : i32
      %mul3A_86 = arith.constant 32 : i32
      %mul3A_87 = arith.muli %mul3A_82, %mul3A_86 : i32
      %multiple_of3A_88 = tpu.assume_multiple %mul3A_87, 8 : i32
      %multiple_of3A_89 = tpu.assume_multiple %mul3A_82, 8 : i32
      %dma_start3A = tpu.memref_slice %arg3[%multiple_of3A_85] : memref<1600000xf32, #tpu.memory_space<hbm>> -> memref<12800xf32, #tpu.memory_space<hbm>>
      %dma_start3A_90 = tpu.memref_slice %arg3[%multiple_of3A_85] : memref<1600000xf32, #tpu.memory_space<hbm>> -> memref<12800xf32, #tpu.memory_space<hbm>>
      tpu.enqueue_dma source(%dma_start3A_90 : memref<12800xf32, #tpu.memory_space<hbm>>) target(%arg8 : memref<12800xf32, #tpu.memory_space<vmem>>) target_semaphore(%arg19 : memref<!tpu.dma_semaphore, #tpu.memory_space<semaphore_mem>>)
      %dma_start3A_91 = tpu.memref_slice %arg4[%multiple_of3A_88] : memref<1600000xi32, #tpu.memory_space<hbm>> -> memref<12800xi32, #tpu.memory_space<hbm>>
      %dma_start3A_92 = tpu.memref_slice %arg4[%multiple_of3A_88] : memref<1600000xi32, #tpu.memory_space<hbm>> -> memref<12800xi32, #tpu.memory_space<hbm>>
      tpu.enqueue_dma source(%dma_start3A_92 : memref<12800xi32, #tpu.memory_space<hbm>>) target(%arg10 : memref<12800xi32, #tpu.memory_space<vmem>>) target_semaphore(%arg19 : memref<!tpu.dma_semaphore, #tpu.memory_space<semaphore_mem>>)
      %dma_start3A_93 = tpu.memref_slice %arg5[%multiple_of3A_89] : memref<50000xi32, #tpu.memory_space<hbm>> -> memref<400xi32, #tpu.memory_space<hbm>>
      %dma_start3A_94 = tpu.memref_slice %arg5[%multiple_of3A_89] : memref<50000xi32, #tpu.memory_space<hbm>> -> memref<400xi32, #tpu.memory_space<hbm>>
      tpu.enqueue_dma source(%dma_start3A_94 : memref<400xi32, #tpu.memory_space<hbm>>) target(%arg12 : memref<400xi32, #tpu.memory_space<vmem>>) target_semaphore(%arg19 : memref<!tpu.dma_semaphore, #tpu.memory_space<semaphore_mem>>)
    } else {
    }
    %add3A_45 = arith.constant 32 : i32
    %add3A_46 = arith.addi %add3A, %add3A_45 : i32
    %lt3A_47 = arith.constant 125 : i32
    %lt3A_48 = arith.cmpi slt, %add3A_46, %lt3A_47 : i32
    %convert_element_type3A_49 = arith.extui %lt3A_48 : i1 to i32
    %cond3A_50 = arith.constant 0 : i32
    %cond3A_51 = arith.cmpi ne, %convert_element_type3A_49, %cond3A_50 : i32
    scf.if %cond3A_51 {
      %mul3A_81 = arith.constant 400 : i32
      %mul3A_82 = arith.muli %add3A_46, %mul3A_81 : i32
      %mul3A_83 = arith.constant 32 : i32
      %mul3A_84 = arith.muli %mul3A_82, %mul3A_83 : i32
      %multiple_of3A_85 = tpu.assume_multiple %mul3A_84, 8 : i32
      %mul3A_86 = arith.constant 32 : i32
      %mul3A_87 = arith.muli %mul3A_82, %mul3A_86 : i32
      %multiple_of3A_88 = tpu.assume_multiple %mul3A_87, 8 : i32
      %multiple_of3A_89 = tpu.assume_multiple %mul3A_82, 8 : i32
      %dma_wait3A = tpu.memref_slice %arg3[%multiple_of3A_85] : memref<1600000xf32, #tpu.memory_space<hbm>> -> memref<12800xf32, #tpu.memory_space<hbm>>
      %dma_wait3A_90 = tpu.memref_slice %arg3[%multiple_of3A_85] : memref<1600000xf32, #tpu.memory_space<hbm>> -> memref<12800xf32, #tpu.memory_space<hbm>>
      tpu.wait_dma2 semaphore(%arg20 : memref<!tpu.dma_semaphore, #tpu.memory_space<semaphore_mem>>) src(%dma_wait3A_90 : memref<12800xf32, #tpu.memory_space<hbm>>) dst(%arg9 : memref<12800xf32, #tpu.memory_space<vmem>>)
      %dma_wait3A_91 = tpu.memref_slice %arg4[%multiple_of3A_88] : memref<1600000xi32, #tpu.memory_space<hbm>> -> memref<12800xi32, #tpu.memory_space<hbm>>
      %dma_wait3A_92 = tpu.memref_slice %arg4[%multiple_of3A_88] : memref<1600000xi32, #tpu.memory_space<hbm>> -> memref<12800xi32, #tpu.memory_space<hbm>>
      tpu.wait_dma2 semaphore(%arg20 : memref<!tpu.dma_semaphore, #tpu.memory_space<semaphore_mem>>) src(%dma_wait3A_92 : memref<12800xi32, #tpu.memory_space<hbm>>) dst(%arg11 : memref<12800xi32, #tpu.memory_space<vmem>>)
      %dma_wait3A_93 = tpu.memref_slice %arg5[%multiple_of3A_89] : memref<50000xi32, #tpu.memory_space<hbm>> -> memref<400xi32, #tpu.memory_space<hbm>>
      %dma_wait3A_94 = tpu.memref_slice %arg5[%multiple_of3A_89] : memref<50000xi32, #tpu.memory_space<hbm>> -> memref<400xi32, #tpu.memory_space<hbm>>
      tpu.wait_dma2 semaphore(%arg20 : memref<!tpu.dma_semaphore, #tpu.memory_space<semaphore_mem>>) src(%dma_wait3A_94 : memref<400xi32, #tpu.memory_space<hbm>>) dst(%arg13 : memref<400xi32, #tpu.memory_space<vmem>>)
      %mul3A_95 = arith.constant 400 : i32
      %mul3A_96 = arith.muli %add3A_46, %mul3A_95 : i32
      %scan3A_97 = arith.constant 0 : i32
      %scan3A_98 = arith.constant 0 : i32
      %scan3A_99 = arith.constant 25 : i32
      %scan3A_100 = arith.addi %scan3A_98, %scan3A_99 : i32
      %scan3A_101 = arith.constant 1 : i32
      %scan3A_102 = scf.for %scan3A_104 = %scan3A_98 to %scan3A_100 step %scan3A_101 iter_args(%scan3A_105 = %scan3A_97) -> (i32)  : i32 {
        %mul3A_106 = arith.constant 512 : i32
        %mul3A_107 = arith.muli %scan3A_104, %mul3A_106 : i32
        %parallel_loop3A = arith.constant 0 : i32
        %parallel_loop3A_108 = arith.constant 32 : i32
        %parallel_loop3A_109 = arith.constant 1 : i32
        %parallel_loop3A_110 = scf.for %parallel_loop3A_138 = %parallel_loop3A to %parallel_loop3A_108 step %parallel_loop3A_109 iter_args(%parallel_loop3A_139 = %broadcast_in_dim3A_16) -> (vector<16xf32>)  : i32 {
          %parallel_loop3A_140 = arith.addi %mul3A_107, %parallel_loop3A_138 : i32
          %parallel_loop3A_141 = vector.broadcast %parallel_loop3A_140 : i32 to vector<16xi32>
          %parallel_loop3A_142 = arith.addi %mul3A_25, %parallel_loop3A_141 : vector<16xi32>
          %parallel_loop3A_143 = tpu.vector_load_idx %arg11[%parallel_loop3A_142] : memref<12800xi32, #tpu.memory_space<vmem>>[vector<16xi32>], vector<16xi32>,
          %parallel_loop3A_144 = tpu.vector_load_idx %arg9[%parallel_loop3A_142] : memref<12800xf32, #tpu.memory_space<vmem>>[vector<16xi32>], vector<16xf32>,
          %parallel_loop3A_145 = tpu.vector_load_idx %arg7[%parallel_loop3A_143] : memref<50000xf32, #tpu.memory_space<vmem>>[vector<16xi32>], vector<16xf32>,
          %parallel_loop3A_146 = arith.mulf %parallel_loop3A_144, %parallel_loop3A_144 : vector<16xf32>
          %parallel_loop3A_147 = arith.constant 0.0472589806 : f32
          %parallel_loop3A_148 = vector.broadcast %parallel_loop3A_147 : f32 to vector<16xf32>
          %parallel_loop3A_149 = arith.mulf %parallel_loop3A_146, %parallel_loop3A_148 : vector<16xf32>
          %parallel_loop3A_150 = arith.constant 1.000000e+00 : f32
          %parallel_loop3A_151 = vector.broadcast %parallel_loop3A_150 : f32 to vector<16xf32>
          %parallel_loop3A_152 = arith.cmpf olt, %parallel_loop3A_149, %parallel_loop3A_151 : vector<16xf32>
          %parallel_loop3A_153 = arith.constant 1.000000e+00 : f32
          %parallel_loop3A_154 = vector.broadcast %parallel_loop3A_153 : f32 to vector<16xf32>
          %parallel_loop3A_155 = arith.subf %parallel_loop3A_149, %parallel_loop3A_154 : vector<16xf32>
          %parallel_loop3A_156 = arith.constant -1.000000e+00 : f32
          %parallel_loop3A_157 = vector.broadcast %parallel_loop3A_156 : f32 to vector<16xf32>
          %parallel_loop3A_158 = arith.select %parallel_loop3A_152, %parallel_loop3A_155, %parallel_loop3A_157 : vector<16xi1>, vector<16xf32>
          %parallel_loop3A_159 = arith.divf %parallel_loop3A_149, %parallel_loop3A_158 : vector<16xf32>
          %parallel_loop3A_160 = math.exp %parallel_loop3A_159 : vector<16xf32>
          %parallel_loop3A_161 = arith.constant 1.000000e+00 : f32
          %parallel_loop3A_162 = vector.broadcast %parallel_loop3A_161 : f32 to vector<16xf32>
          %parallel_loop3A_163 = arith.subf %parallel_loop3A_162, %parallel_loop3A_160 : vector<16xf32>
          %parallel_loop3A_164 = arith.constant 1.000000e+00 : f32
          %parallel_loop3A_165 = vector.broadcast %parallel_loop3A_164 : f32 to vector<16xf32>
          %parallel_loop3A_166 = arith.select %parallel_loop3A_152, %parallel_loop3A_163, %parallel_loop3A_165 : vector<16xi1>, vector<16xf32>
          %parallel_loop3A_167 = arith.mulf %parallel_loop3A_166, %parallel_loop3A_145 : vector<16xf32>
          %parallel_loop3A_168 = arith.divf %parallel_loop3A_167, %parallel_loop3A_144 : vector<16xf32>
          %parallel_loop3A_169 = arith.addf %parallel_loop3A_139, %parallel_loop3A_168 : vector<16xf32>
          scf.yield %parallel_loop3A_169 : vector<16xf32>
        } {sc.loop_unroll_factor = 8 : i64, sc.parallel_access}
        %mul3A_111 = arith.constant 16 : i32
        %mul3A_112 = arith.muli %scan3A_104, %mul3A_111 : i32
        %add3A_113 = arith.addi %mul3A_96, %mul3A_112 : i32
        %multiple_of3A_114 = tpu.assume_multiple %add3A_113, 16 : i32
        %get3A = arith.index_cast %multiple_of3A_114 : i32 to index
        %get3A_115 = tpu.vector_load %arg7[%get3A] {strides = array<i32>} : memref<50000xf32, #tpu.memory_space<vmem>>, vector<16xf32>,
        %mul3A_116 = arith.mulf %parallel_loop3A_110, %get3A_115 : vector<16xf32>
        %mul3A_117 = arith.constant 7.1998229 : f32
        %mul3A_118 = vector.broadcast %mul3A_117 : f32 to vector<16xf32>
        %mul3A_119 = arith.mulf %mul3A_116, %mul3A_118 : vector<16xf32>
        %broadcast_in_dim3A_120 = arith.constant true
        %broadcast_in_dim3A_121 = vector.broadcast %broadcast_in_dim3A_120 : i1 to vector<16xi1>
        %masked_cumsum3A = tpu.scan <sum>, %mul3A_119 masked %broadcast_in_dim3A_121 : vector<16xf32>, vector<16xi1> -> vector<16xf32>
        %multiple_of3A_122 = tpu.assume_multiple %mul3A_112, 16 : i32
        %get3A_123 = arith.index_cast %multiple_of3A_122 : i32 to index
        %get3A_124 = tpu.vector_load %arg13[%get3A_123] {strides = array<i32>} : memref<400xi32, #tpu.memory_space<vmem>>, vector<16xi32>,
        %add3A_125 = arith.constant 1 : i32
        %add3A_126 = arith.addi %mul3A_112, %add3A_125 : i32
        %add3A_127 = vector.broadcast %add3A_126 : i32 to vector<16xi32>
        %add3A_128 = arith.addi %iota3A, %add3A_127 : vector<16xi32>
        %min3A = arith.constant 399 : i32
        %min3A_129 = vector.broadcast %min3A : i32 to vector<16xi32>
        %min3A_130 = arith.minsi %add3A_128, %min3A_129 : vector<16xi32>
        %gather3A = tpu.vector_load_idx %arg13[%min3A_130] : memref<400xi32, #tpu.memory_space<vmem>>[vector<16xi32>], vector<16xi32>,
        %ne3A = arith.cmpi ne, %get3A_124, %gather3A : vector<16xi32>
        %eq3A_131 = arith.constant 15 : i32
        %eq3A_132 = vector.broadcast %eq3A_131 : i32 to vector<16xi32>
        %eq3A_133 = arith.cmpi eq, %iota3A, %eq3A_132 : vector<16xi32>
        %or3A = arith.ori %ne3A, %eq3A_133 : vector<16xi1>
        %not3A = arith.constant dense<true> : vector<16xi1>
        %not3A_134 = arith.xori %eq3A_133, %not3A : vector<16xi1>
        %and3A = arith.andi %ne3A, %not3A_134 : vector<16xi1>
        tpu.vector_store_idx %arg14[%get3A_124], %masked_cumsum3A masked %or3A {add = true} : memref<512xf32, #tpu.memory_space<vmem>>[vector<16xi32>], vector<16xf32>, vector<16xi1>
        %neg3A = arith.constant 0.000000e+00 : f32
        %neg3A_135 = vector.broadcast %neg3A : f32 to vector<16xf32>
        %neg3A_136 = arith.subf %neg3A_135, %masked_cumsum3A : vector<16xf32>
        tpu.vector_store_idx %arg14[%gather3A], %neg3A_136 masked %and3A {add = true} : memref<512xf32, #tpu.memory_space<vmem>>[vector<16xi32>], vector<16xf32>, vector<16xi1>
        %scan3A_137 = arith.constant 0 : i32
        scf.yield %scan3A_137 : i32
      }
      %scan3A_103 = arith.constant 25 : i32
    } else {
    }
    %add3A_52 = arith.constant 96 : i32
    %add3A_53 = arith.addi %add3A, %add3A_52 : i32
    %lt3A_54 = arith.constant 125 : i32
    %lt3A_55 = arith.cmpi slt, %add3A_53, %lt3A_54 : i32
    %convert_element_type3A_56 = arith.extui %lt3A_55 : i1 to i32
    %cond3A_57 = arith.constant 0 : i32
    %cond3A_58 = arith.cmpi ne, %convert_element_type3A_56, %cond3A_57 : i32
    scf.if %cond3A_58 {
      %mul3A_81 = arith.constant 400 : i32
      %mul3A_82 = arith.muli %add3A_53, %mul3A_81 : i32
      %mul3A_83 = arith.constant 32 : i32
      %mul3A_84 = arith.muli %mul3A_82, %mul3A_83 : i32
      %multiple_of3A_85 = tpu.assume_multiple %mul3A_84, 8 : i32
      %mul3A_86 = arith.constant 32 : i32
      %mul3A_87 = arith.muli %mul3A_82, %mul3A_86 : i32
      %multiple_of3A_88 = tpu.assume_multiple %mul3A_87, 8 : i32
      %multiple_of3A_89 = tpu.assume_multiple %mul3A_82, 8 : i32
      %dma_start3A = tpu.memref_slice %arg3[%multiple_of3A_85] : memref<1600000xf32, #tpu.memory_space<hbm>> -> memref<12800xf32, #tpu.memory_space<hbm>>
      %dma_start3A_90 = tpu.memref_slice %arg3[%multiple_of3A_85] : memref<1600000xf32, #tpu.memory_space<hbm>> -> memref<12800xf32, #tpu.memory_space<hbm>>
      tpu.enqueue_dma source(%dma_start3A_90 : memref<12800xf32, #tpu.memory_space<hbm>>) target(%arg9 : memref<12800xf32, #tpu.memory_space<vmem>>) target_semaphore(%arg20 : memref<!tpu.dma_semaphore, #tpu.memory_space<semaphore_mem>>)
      %dma_start3A_91 = tpu.memref_slice %arg4[%multiple_of3A_88] : memref<1600000xi32, #tpu.memory_space<hbm>> -> memref<12800xi32, #tpu.memory_space<hbm>>
      %dma_start3A_92 = tpu.memref_slice %arg4[%multiple_of3A_88] : memref<1600000xi32, #tpu.memory_space<hbm>> -> memref<12800xi32, #tpu.memory_space<hbm>>
      tpu.enqueue_dma source(%dma_start3A_92 : memref<12800xi32, #tpu.memory_space<hbm>>) target(%arg11 : memref<12800xi32, #tpu.memory_space<vmem>>) target_semaphore(%arg20 : memref<!tpu.dma_semaphore, #tpu.memory_space<semaphore_mem>>)
      %dma_start3A_93 = tpu.memref_slice %arg5[%multiple_of3A_89] : memref<50000xi32, #tpu.memory_space<hbm>> -> memref<400xi32, #tpu.memory_space<hbm>>
      %dma_start3A_94 = tpu.memref_slice %arg5[%multiple_of3A_89] : memref<50000xi32, #tpu.memory_space<hbm>> -> memref<400xi32, #tpu.memory_space<hbm>>
      tpu.enqueue_dma source(%dma_start3A_94 : memref<400xi32, #tpu.memory_space<hbm>>) target(%arg13 : memref<400xi32, #tpu.memory_space<vmem>>) target_semaphore(%arg20 : memref<!tpu.dma_semaphore, #tpu.memory_space<semaphore_mem>>)
    } else {
    }
    %add3A_59 = arith.constant 64 : i32
    %add3A_60 = arith.addi %add3A, %add3A_59 : i32
    %lt3A_61 = arith.constant 125 : i32
    %lt3A_62 = arith.cmpi slt, %add3A_60, %lt3A_61 : i32
    %convert_element_type3A_63 = arith.extui %lt3A_62 : i1 to i32
    %cond3A_64 = arith.constant 0 : i32
    %cond3A_65 = arith.cmpi ne, %convert_element_type3A_63, %cond3A_64 : i32
    scf.if %cond3A_65 {
      %mul3A_81 = arith.constant 400 : i32
      %mul3A_82 = arith.muli %add3A_60, %mul3A_81 : i32
      %mul3A_83 = arith.constant 32 : i32
      %mul3A_84 = arith.muli %mul3A_82, %mul3A_83 : i32
      %multiple_of3A_85 = tpu.assume_multiple %mul3A_84, 8 : i32
      %mul3A_86 = arith.constant 32 : i32
      %mul3A_87 = arith.muli %mul3A_82, %mul3A_86 : i32
      %multiple_of3A_88 = tpu.assume_multiple %mul3A_87, 8 : i32
      %multiple_of3A_89 = tpu.assume_multiple %mul3A_82, 8 : i32
      %dma_wait3A = tpu.memref_slice %arg3[%multiple_of3A_85] : memref<1600000xf32, #tpu.memory_space<hbm>> -> memref<12800xf32, #tpu.memory_space<hbm>>
      %dma_wait3A_90 = tpu.memref_slice %arg3[%multiple_of3A_85] : memref<1600000xf32, #tpu.memory_space<hbm>> -> memref<12800xf32, #tpu.memory_space<hbm>>
      tpu.wait_dma2 semaphore(%arg19 : memref<!tpu.dma_semaphore, #tpu.memory_space<semaphore_mem>>) src(%dma_wait3A_90 : memref<12800xf32, #tpu.memory_space<hbm>>) dst(%arg8 : memref<12800xf32, #tpu.memory_space<vmem>>)
      %dma_wait3A_91 = tpu.memref_slice %arg4[%multiple_of3A_88] : memref<1600000xi32, #tpu.memory_space<hbm>> -> memref<12800xi32, #tpu.memory_space<hbm>>
      %dma_wait3A_92 = tpu.memref_slice %arg4[%multiple_of3A_88] : memref<1600000xi32, #tpu.memory_space<hbm>> -> memref<12800xi32, #tpu.memory_space<hbm>>
      tpu.wait_dma2 semaphore(%arg19 : memref<!tpu.dma_semaphore, #tpu.memory_space<semaphore_mem>>) src(%dma_wait3A_92 : memref<12800xi32, #tpu.memory_space<hbm>>) dst(%arg10 : memref<12800xi32, #tpu.memory_space<vmem>>)
      %dma_wait3A_93 = tpu.memref_slice %arg5[%multiple_of3A_89] : memref<50000xi32, #tpu.memory_space<hbm>> -> memref<400xi32, #tpu.memory_space<hbm>>
      %dma_wait3A_94 = tpu.memref_slice %arg5[%multiple_of3A_89] : memref<50000xi32, #tpu.memory_space<hbm>> -> memref<400xi32, #tpu.memory_space<hbm>>
      tpu.wait_dma2 semaphore(%arg19 : memref<!tpu.dma_semaphore, #tpu.memory_space<semaphore_mem>>) src(%dma_wait3A_94 : memref<400xi32, #tpu.memory_space<hbm>>) dst(%arg12 : memref<400xi32, #tpu.memory_space<vmem>>)
      %mul3A_95 = arith.constant 400 : i32
      %mul3A_96 = arith.muli %add3A_60, %mul3A_95 : i32
      %scan3A_97 = arith.constant 0 : i32
      %scan3A_98 = arith.constant 0 : i32
      %scan3A_99 = arith.constant 25 : i32
      %scan3A_100 = arith.addi %scan3A_98, %scan3A_99 : i32
      %scan3A_101 = arith.constant 1 : i32
      %scan3A_102 = scf.for %scan3A_104 = %scan3A_98 to %scan3A_100 step %scan3A_101 iter_args(%scan3A_105 = %scan3A_97) -> (i32)  : i32 {
        %mul3A_106 = arith.constant 512 : i32
        %mul3A_107 = arith.muli %scan3A_104, %mul3A_106 : i32
        %parallel_loop3A = arith.constant 0 : i32
        %parallel_loop3A_108 = arith.constant 32 : i32
        %parallel_loop3A_109 = arith.constant 1 : i32
        %parallel_loop3A_110 = scf.for %parallel_loop3A_138 = %parallel_loop3A to %parallel_loop3A_108 step %parallel_loop3A_109 iter_args(%parallel_loop3A_139 = %broadcast_in_dim3A_16) -> (vector<16xf32>)  : i32 {
          %parallel_loop3A_140 = arith.addi %mul3A_107, %parallel_loop3A_138 : i32
          %parallel_loop3A_141 = vector.broadcast %parallel_loop3A_140 : i32 to vector<16xi32>
          %parallel_loop3A_142 = arith.addi %mul3A_25, %parallel_loop3A_141 : vector<16xi32>
          %parallel_loop3A_143 = tpu.vector_load_idx %arg10[%parallel_loop3A_142] : memref<12800xi32, #tpu.memory_space<vmem>>[vector<16xi32>], vector<16xi32>,
          %parallel_loop3A_144 = tpu.vector_load_idx %arg8[%parallel_loop3A_142] : memref<12800xf32, #tpu.memory_space<vmem>>[vector<16xi32>], vector<16xf32>,
          %parallel_loop3A_145 = tpu.vector_load_idx %arg7[%parallel_loop3A_143] : memref<50000xf32, #tpu.memory_space<vmem>>[vector<16xi32>], vector<16xf32>,
          %parallel_loop3A_146 = arith.mulf %parallel_loop3A_144, %parallel_loop3A_144 : vector<16xf32>
          %parallel_loop3A_147 = arith.constant 0.0472589806 : f32
          %parallel_loop3A_148 = vector.broadcast %parallel_loop3A_147 : f32 to vector<16xf32>
          %parallel_loop3A_149 = arith.mulf %parallel_loop3A_146, %parallel_loop3A_148 : vector<16xf32>
          %parallel_loop3A_150 = arith.constant 1.000000e+00 : f32
          %parallel_loop3A_151 = vector.broadcast %parallel_loop3A_150 : f32 to vector<16xf32>
          %parallel_loop3A_152 = arith.cmpf olt, %parallel_loop3A_149, %parallel_loop3A_151 : vector<16xf32>
          %parallel_loop3A_153 = arith.constant 1.000000e+00 : f32
          %parallel_loop3A_154 = vector.broadcast %parallel_loop3A_153 : f32 to vector<16xf32>
          %parallel_loop3A_155 = arith.subf %parallel_loop3A_149, %parallel_loop3A_154 : vector<16xf32>
          %parallel_loop3A_156 = arith.constant -1.000000e+00 : f32
          %parallel_loop3A_157 = vector.broadcast %parallel_loop3A_156 : f32 to vector<16xf32>
          %parallel_loop3A_158 = arith.select %parallel_loop3A_152, %parallel_loop3A_155, %parallel_loop3A_157 : vector<16xi1>, vector<16xf32>
          %parallel_loop3A_159 = arith.divf %parallel_loop3A_149, %parallel_loop3A_158 : vector<16xf32>
          %parallel_loop3A_160 = math.exp %parallel_loop3A_159 : vector<16xf32>
          %parallel_loop3A_161 = arith.constant 1.000000e+00 : f32
          %parallel_loop3A_162 = vector.broadcast %parallel_loop3A_161 : f32 to vector<16xf32>
          %parallel_loop3A_163 = arith.subf %parallel_loop3A_162, %parallel_loop3A_160 : vector<16xf32>
          %parallel_loop3A_164 = arith.constant 1.000000e+00 : f32
          %parallel_loop3A_165 = vector.broadcast %parallel_loop3A_164 : f32 to vector<16xf32>
          %parallel_loop3A_166 = arith.select %parallel_loop3A_152, %parallel_loop3A_163, %parallel_loop3A_165 : vector<16xi1>, vector<16xf32>
          %parallel_loop3A_167 = arith.mulf %parallel_loop3A_166, %parallel_loop3A_145 : vector<16xf32>
          %parallel_loop3A_168 = arith.divf %parallel_loop3A_167, %parallel_loop3A_144 : vector<16xf32>
          %parallel_loop3A_169 = arith.addf %parallel_loop3A_139, %parallel_loop3A_168 : vector<16xf32>
          scf.yield %parallel_loop3A_169 : vector<16xf32>
        } {sc.loop_unroll_factor = 8 : i64, sc.parallel_access}
        %mul3A_111 = arith.constant 16 : i32
        %mul3A_112 = arith.muli %scan3A_104, %mul3A_111 : i32
        %add3A_113 = arith.addi %mul3A_96, %mul3A_112 : i32
        %multiple_of3A_114 = tpu.assume_multiple %add3A_113, 16 : i32
        %get3A = arith.index_cast %multiple_of3A_114 : i32 to index
        %get3A_115 = tpu.vector_load %arg7[%get3A] {strides = array<i32>} : memref<50000xf32, #tpu.memory_space<vmem>>, vector<16xf32>,
        %mul3A_116 = arith.mulf %parallel_loop3A_110, %get3A_115 : vector<16xf32>
        %mul3A_117 = arith.constant 7.1998229 : f32
        %mul3A_118 = vector.broadcast %mul3A_117 : f32 to vector<16xf32>
        %mul3A_119 = arith.mulf %mul3A_116, %mul3A_118 : vector<16xf32>
        %broadcast_in_dim3A_120 = arith.constant true
        %broadcast_in_dim3A_121 = vector.broadcast %broadcast_in_dim3A_120 : i1 to vector<16xi1>
        %masked_cumsum3A = tpu.scan <sum>, %mul3A_119 masked %broadcast_in_dim3A_121 : vector<16xf32>, vector<16xi1> -> vector<16xf32>
        %multiple_of3A_122 = tpu.assume_multiple %mul3A_112, 16 : i32
        %get3A_123 = arith.index_cast %multiple_of3A_122 : i32 to index
        %get3A_124 = tpu.vector_load %arg12[%get3A_123] {strides = array<i32>} : memref<400xi32, #tpu.memory_space<vmem>>, vector<16xi32>,
        %add3A_125 = arith.constant 1 : i32
        %add3A_126 = arith.addi %mul3A_112, %add3A_125 : i32
        %add3A_127 = vector.broadcast %add3A_126 : i32 to vector<16xi32>
        %add3A_128 = arith.addi %iota3A, %add3A_127 : vector<16xi32>
        %min3A = arith.constant 399 : i32
        %min3A_129 = vector.broadcast %min3A : i32 to vector<16xi32>
        %min3A_130 = arith.minsi %add3A_128, %min3A_129 : vector<16xi32>
        %gather3A = tpu.vector_load_idx %arg12[%min3A_130] : memref<400xi32, #tpu.memory_space<vmem>>[vector<16xi32>], vector<16xi32>,
        %ne3A = arith.cmpi ne, %get3A_124, %gather3A : vector<16xi32>
        %eq3A_131 = arith.constant 15 : i32
        %eq3A_132 = vector.broadcast %eq3A_131 : i32 to vector<16xi32>
        %eq3A_133 = arith.cmpi eq, %iota3A, %eq3A_132 : vector<16xi32>
        %or3A = arith.ori %ne3A, %eq3A_133 : vector<16xi1>
        %not3A = arith.constant dense<true> : vector<16xi1>
        %not3A_134 = arith.xori %eq3A_133, %not3A : vector<16xi1>
        %and3A = arith.andi %ne3A, %not3A_134 : vector<16xi1>
        tpu.vector_store_idx %arg14[%get3A_124], %masked_cumsum3A masked %or3A {add = true} : memref<512xf32, #tpu.memory_space<vmem>>[vector<16xi32>], vector<16xf32>, vector<16xi1>
        %neg3A = arith.constant 0.000000e+00 : f32
        %neg3A_135 = vector.broadcast %neg3A : f32 to vector<16xf32>
        %neg3A_136 = arith.subf %neg3A_135, %masked_cumsum3A : vector<16xf32>
        tpu.vector_store_idx %arg14[%gather3A], %neg3A_136 masked %and3A {add = true} : memref<512xf32, #tpu.memory_space<vmem>>[vector<16xi32>], vector<16xf32>, vector<16xi1>
        %scan3A_137 = arith.constant 0 : i32
        scf.yield %scan3A_137 : i32
      }
      %scan3A_103 = arith.constant 25 : i32
    } else {
    }
    %add3A_66 = arith.constant 96 : i32
    %add3A_67 = arith.addi %add3A, %add3A_66 : i32
    %lt3A_68 = arith.constant 125 : i32
    %lt3A_69 = arith.cmpi slt, %add3A_67, %lt3A_68 : i32
    %convert_element_type3A_70 = arith.extui %lt3A_69 : i1 to i32
    %cond3A_71 = arith.constant 0 : i32
    %cond3A_72 = arith.cmpi ne, %convert_element_type3A_70, %cond3A_71 : i32
    scf.if %cond3A_72 {
      %mul3A_81 = arith.constant 400 : i32
      %mul3A_82 = arith.muli %add3A_67, %mul3A_81 : i32
      %mul3A_83 = arith.constant 32 : i32
      %mul3A_84 = arith.muli %mul3A_82, %mul3A_83 : i32
      %multiple_of3A_85 = tpu.assume_multiple %mul3A_84, 8 : i32
      %mul3A_86 = arith.constant 32 : i32
      %mul3A_87 = arith.muli %mul3A_82, %mul3A_86 : i32
      %multiple_of3A_88 = tpu.assume_multiple %mul3A_87, 8 : i32
      %multiple_of3A_89 = tpu.assume_multiple %mul3A_82, 8 : i32
      %dma_wait3A = tpu.memref_slice %arg3[%multiple_of3A_85] : memref<1600000xf32, #tpu.memory_space<hbm>> -> memref<12800xf32, #tpu.memory_space<hbm>>
      %dma_wait3A_90 = tpu.memref_slice %arg3[%multiple_of3A_85] : memref<1600000xf32, #tpu.memory_space<hbm>> -> memref<12800xf32, #tpu.memory_space<hbm>>
      tpu.wait_dma2 semaphore(%arg20 : memref<!tpu.dma_semaphore, #tpu.memory_space<semaphore_mem>>) src(%dma_wait3A_90 : memref<12800xf32, #tpu.memory_space<hbm>>) dst(%arg9 : memref<12800xf32, #tpu.memory_space<vmem>>)
      %dma_wait3A_91 = tpu.memref_slice %arg4[%multiple_of3A_88] : memref<1600000xi32, #tpu.memory_space<hbm>> -> memref<12800xi32, #tpu.memory_space<hbm>>
      %dma_wait3A_92 = tpu.memref_slice %arg4[%multiple_of3A_88] : memref<1600000xi32, #tpu.memory_space<hbm>> -> memref<12800xi32, #tpu.memory_space<hbm>>
      tpu.wait_dma2 semaphore(%arg20 : memref<!tpu.dma_semaphore, #tpu.memory_space<semaphore_mem>>) src(%dma_wait3A_92 : memref<12800xi32, #tpu.memory_space<hbm>>) dst(%arg11 : memref<12800xi32, #tpu.memory_space<vmem>>)
      %dma_wait3A_93 = tpu.memref_slice %arg5[%multiple_of3A_89] : memref<50000xi32, #tpu.memory_space<hbm>> -> memref<400xi32, #tpu.memory_space<hbm>>
      %dma_wait3A_94 = tpu.memref_slice %arg5[%multiple_of3A_89] : memref<50000xi32, #tpu.memory_space<hbm>> -> memref<400xi32, #tpu.memory_space<hbm>>
      tpu.wait_dma2 semaphore(%arg20 : memref<!tpu.dma_semaphore, #tpu.memory_space<semaphore_mem>>) src(%dma_wait3A_94 : memref<400xi32, #tpu.memory_space<hbm>>) dst(%arg13 : memref<400xi32, #tpu.memory_space<vmem>>)
      %mul3A_95 = arith.constant 400 : i32
      %mul3A_96 = arith.muli %add3A_67, %mul3A_95 : i32
      %scan3A_97 = arith.constant 0 : i32
      %scan3A_98 = arith.constant 0 : i32
      %scan3A_99 = arith.constant 25 : i32
      %scan3A_100 = arith.addi %scan3A_98, %scan3A_99 : i32
      %scan3A_101 = arith.constant 1 : i32
      %scan3A_102 = scf.for %scan3A_104 = %scan3A_98 to %scan3A_100 step %scan3A_101 iter_args(%scan3A_105 = %scan3A_97) -> (i32)  : i32 {
        %mul3A_106 = arith.constant 512 : i32
        %mul3A_107 = arith.muli %scan3A_104, %mul3A_106 : i32
        %parallel_loop3A = arith.constant 0 : i32
        %parallel_loop3A_108 = arith.constant 32 : i32
        %parallel_loop3A_109 = arith.constant 1 : i32
        %parallel_loop3A_110 = scf.for %parallel_loop3A_138 = %parallel_loop3A to %parallel_loop3A_108 step %parallel_loop3A_109 iter_args(%parallel_loop3A_139 = %broadcast_in_dim3A_16) -> (vector<16xf32>)  : i32 {
          %parallel_loop3A_140 = arith.addi %mul3A_107, %parallel_loop3A_138 : i32
          %parallel_loop3A_141 = vector.broadcast %parallel_loop3A_140 : i32 to vector<16xi32>
          %parallel_loop3A_142 = arith.addi %mul3A_25, %parallel_loop3A_141 : vector<16xi32>
          %parallel_loop3A_143 = tpu.vector_load_idx %arg11[%parallel_loop3A_142] : memref<12800xi32, #tpu.memory_space<vmem>>[vector<16xi32>], vector<16xi32>,
          %parallel_loop3A_144 = tpu.vector_load_idx %arg9[%parallel_loop3A_142] : memref<12800xf32, #tpu.memory_space<vmem>>[vector<16xi32>], vector<16xf32>,
          %parallel_loop3A_145 = tpu.vector_load_idx %arg7[%parallel_loop3A_143] : memref<50000xf32, #tpu.memory_space<vmem>>[vector<16xi32>], vector<16xf32>,
          %parallel_loop3A_146 = arith.mulf %parallel_loop3A_144, %parallel_loop3A_144 : vector<16xf32>
          %parallel_loop3A_147 = arith.constant 0.0472589806 : f32
          %parallel_loop3A_148 = vector.broadcast %parallel_loop3A_147 : f32 to vector<16xf32>
          %parallel_loop3A_149 = arith.mulf %parallel_loop3A_146, %parallel_loop3A_148 : vector<16xf32>
          %parallel_loop3A_150 = arith.constant 1.000000e+00 : f32
          %parallel_loop3A_151 = vector.broadcast %parallel_loop3A_150 : f32 to vector<16xf32>
          %parallel_loop3A_152 = arith.cmpf olt, %parallel_loop3A_149, %parallel_loop3A_151 : vector<16xf32>
          %parallel_loop3A_153 = arith.constant 1.000000e+00 : f32
          %parallel_loop3A_154 = vector.broadcast %parallel_loop3A_153 : f32 to vector<16xf32>
          %parallel_loop3A_155 = arith.subf %parallel_loop3A_149, %parallel_loop3A_154 : vector<16xf32>
          %parallel_loop3A_156 = arith.constant -1.000000e+00 : f32
          %parallel_loop3A_157 = vector.broadcast %parallel_loop3A_156 : f32 to vector<16xf32>
          %parallel_loop3A_158 = arith.select %parallel_loop3A_152, %parallel_loop3A_155, %parallel_loop3A_157 : vector<16xi1>, vector<16xf32>
          %parallel_loop3A_159 = arith.divf %parallel_loop3A_149, %parallel_loop3A_158 : vector<16xf32>
          %parallel_loop3A_160 = math.exp %parallel_loop3A_159 : vector<16xf32>
          %parallel_loop3A_161 = arith.constant 1.000000e+00 : f32
          %parallel_loop3A_162 = vector.broadcast %parallel_loop3A_161 : f32 to vector<16xf32>
          %parallel_loop3A_163 = arith.subf %parallel_loop3A_162, %parallel_loop3A_160 : vector<16xf32>
          %parallel_loop3A_164 = arith.constant 1.000000e+00 : f32
          %parallel_loop3A_165 = vector.broadcast %parallel_loop3A_164 : f32 to vector<16xf32>
          %parallel_loop3A_166 = arith.select %parallel_loop3A_152, %parallel_loop3A_163, %parallel_loop3A_165 : vector<16xi1>, vector<16xf32>
          %parallel_loop3A_167 = arith.mulf %parallel_loop3A_166, %parallel_loop3A_145 : vector<16xf32>
          %parallel_loop3A_168 = arith.divf %parallel_loop3A_167, %parallel_loop3A_144 : vector<16xf32>
          %parallel_loop3A_169 = arith.addf %parallel_loop3A_139, %parallel_loop3A_168 : vector<16xf32>
          scf.yield %parallel_loop3A_169 : vector<16xf32>
        } {sc.loop_unroll_factor = 8 : i64, sc.parallel_access}
        %mul3A_111 = arith.constant 16 : i32
        %mul3A_112 = arith.muli %scan3A_104, %mul3A_111 : i32
        %add3A_113 = arith.addi %mul3A_96, %mul3A_112 : i32
        %multiple_of3A_114 = tpu.assume_multiple %add3A_113, 16 : i32
        %get3A = arith.index_cast %multiple_of3A_114 : i32 to index
        %get3A_115 = tpu.vector_load %arg7[%get3A] {strides = array<i32>} : memref<50000xf32, #tpu.memory_space<vmem>>, vector<16xf32>,
        %mul3A_116 = arith.mulf %parallel_loop3A_110, %get3A_115 : vector<16xf32>
        %mul3A_117 = arith.constant 7.1998229 : f32
        %mul3A_118 = vector.broadcast %mul3A_117 : f32 to vector<16xf32>
        %mul3A_119 = arith.mulf %mul3A_116, %mul3A_118 : vector<16xf32>
        %broadcast_in_dim3A_120 = arith.constant true
        %broadcast_in_dim3A_121 = vector.broadcast %broadcast_in_dim3A_120 : i1 to vector<16xi1>
        %masked_cumsum3A = tpu.scan <sum>, %mul3A_119 masked %broadcast_in_dim3A_121 : vector<16xf32>, vector<16xi1> -> vector<16xf32>
        %multiple_of3A_122 = tpu.assume_multiple %mul3A_112, 16 : i32
        %get3A_123 = arith.index_cast %multiple_of3A_122 : i32 to index
        %get3A_124 = tpu.vector_load %arg13[%get3A_123] {strides = array<i32>} : memref<400xi32, #tpu.memory_space<vmem>>, vector<16xi32>,
        %add3A_125 = arith.constant 1 : i32
        %add3A_126 = arith.addi %mul3A_112, %add3A_125 : i32
        %add3A_127 = vector.broadcast %add3A_126 : i32 to vector<16xi32>
        %add3A_128 = arith.addi %iota3A, %add3A_127 : vector<16xi32>
        %min3A = arith.constant 399 : i32
        %min3A_129 = vector.broadcast %min3A : i32 to vector<16xi32>
        %min3A_130 = arith.minsi %add3A_128, %min3A_129 : vector<16xi32>
        %gather3A = tpu.vector_load_idx %arg13[%min3A_130] : memref<400xi32, #tpu.memory_space<vmem>>[vector<16xi32>], vector<16xi32>,
        %ne3A = arith.cmpi ne, %get3A_124, %gather3A : vector<16xi32>
        %eq3A_131 = arith.constant 15 : i32
        %eq3A_132 = vector.broadcast %eq3A_131 : i32 to vector<16xi32>
        %eq3A_133 = arith.cmpi eq, %iota3A, %eq3A_132 : vector<16xi32>
        %or3A = arith.ori %ne3A, %eq3A_133 : vector<16xi1>
        %not3A = arith.constant dense<true> : vector<16xi1>
        %not3A_134 = arith.xori %eq3A_133, %not3A : vector<16xi1>
        %and3A = arith.andi %ne3A, %not3A_134 : vector<16xi1>
        tpu.vector_store_idx %arg14[%get3A_124], %masked_cumsum3A masked %or3A {add = true} : memref<512xf32, #tpu.memory_space<vmem>>[vector<16xi32>], vector<16xf32>, vector<16xi1>
        %neg3A = arith.constant 0.000000e+00 : f32
        %neg3A_135 = vector.broadcast %neg3A : f32 to vector<16xf32>
        %neg3A_136 = arith.subf %neg3A_135, %masked_cumsum3A : vector<16xf32>
        tpu.vector_store_idx %arg14[%gather3A], %neg3A_136 masked %and3A {add = true} : memref<512xf32, #tpu.memory_space<vmem>>[vector<16xi32>], vector<16xf32>, vector<16xi1>
        %scan3A_137 = arith.constant 0 : i32
        scf.yield %scan3A_137 : i32
      }
      %scan3A_103 = arith.constant 25 : i32
    } else {
    }
    %mul3A_73 = arith.constant 512 : i32
    %mul3A_74 = arith.muli %arg1, %mul3A_73 : i32
    %multiple_of3A = tpu.assume_multiple %mul3A_74, 8 : i32
    "tpu.region"() ({
      %run_scoped3A = tpu.sem_alloc : memref<!tpu.dma_semaphore, #tpu.memory_space<semaphore_mem>>
      %dma_start3A = tpu.memref_slice %arg16[%multiple_of3A] : memref<8192xf32, #tpu.memory_space<vmem_shared>> -> memref<512xf32, #tpu.memory_space<vmem_shared>>
      %dma_start3A_81 = tpu.memref_slice %arg16[%multiple_of3A] : memref<8192xf32, #tpu.memory_space<vmem_shared>> -> memref<512xf32, #tpu.memory_space<vmem_shared>>
      tpu.enqueue_dma source(%arg14 : memref<512xf32, #tpu.memory_space<vmem>>) target(%dma_start3A_81 : memref<512xf32, #tpu.memory_space<vmem_shared>>) target_semaphore(%run_scoped3A : memref<!tpu.dma_semaphore, #tpu.memory_space<semaphore_mem>>)
      %dma_wait3A = tpu.memref_slice %arg16[%multiple_of3A] : memref<8192xf32, #tpu.memory_space<vmem_shared>> -> memref<512xf32, #tpu.memory_space<vmem_shared>>
      %dma_wait3A_82 = tpu.memref_slice %arg16[%multiple_of3A] : memref<8192xf32, #tpu.memory_space<vmem_shared>> -> memref<512xf32, #tpu.memory_space<vmem_shared>>
      tpu.wait_dma2 semaphore(%run_scoped3A : memref<!tpu.dma_semaphore, #tpu.memory_space<semaphore_mem>>) src(%arg14 : memref<512xf32, #tpu.memory_space<vmem>>) dst(%dma_wait3A_82 : memref<512xf32, #tpu.memory_space<vmem_shared>>)
      tpu.yield
    }) : () -> ()
    %barrier3A_75 = arith.constant 0 : index
    tpu.barrier barrier_id(%barrier3A_75)
    %eq3A_76 = arith.constant 0 : i32
    %eq3A_77 = arith.cmpi eq, %arg1, %eq3A_76 : i32
    %convert_element_type3A_78 = arith.extui %eq3A_77 : i1 to i32
    %cond3A_79 = arith.constant 0 : i32
    %cond3A_80 = arith.cmpi ne, %convert_element_type3A_78, %cond3A_79 : i32
    scf.if %cond3A_80 {
      "tpu.region"() ({
        %run_scoped3A = tpu.sem_alloc : memref<!tpu.dma_semaphore, #tpu.memory_space<semaphore_mem>>
        tpu.enqueue_dma source(%arg16 : memref<8192xf32, #tpu.memory_space<vmem_shared>>) target(%arg15 : memref<8192xf32, #tpu.memory_space<vmem>>) target_semaphore(%run_scoped3A : memref<!tpu.dma_semaphore, #tpu.memory_space<semaphore_mem>>)
        tpu.wait_dma2 semaphore(%run_scoped3A : memref<!tpu.dma_semaphore, #tpu.memory_space<semaphore_mem>>) src(%arg16 : memref<8192xf32, #tpu.memory_space<vmem_shared>>) dst(%arg15 : memref<8192xf32, #tpu.memory_space<vmem>>)
        tpu.yield
      }) : () -> ()
      %scan3A_81 = arith.constant 0 : i32
      %scan3A_82 = arith.constant 0 : i32
      %scan3A_83 = arith.constant 32 : i32
      %scan3A_84 = arith.addi %scan3A_82, %scan3A_83 : i32
      %scan3A_85 = arith.constant 1 : i32
      %scan3A_86 = scf.for %scan3A_88 = %scan3A_82 to %scan3A_84 step %scan3A_85 iter_args(%scan3A_89 = %scan3A_81) -> (i32)  : i32 {
        %mul3A_90 = arith.constant 16 : i32
        %mul3A_91 = arith.muli %scan3A_88, %mul3A_90 : i32
        %multiple_of3A_92 = tpu.assume_multiple %mul3A_91, 16 : i32
        %get3A = arith.index_cast %multiple_of3A_92 : i32 to index
        %get3A_93 = tpu.vector_load %arg15[%get3A] {strides = array<i32>} : memref<8192xf32, #tpu.memory_space<vmem>>, vector<16xf32>,
        %add3A_94 = arith.constant 512 : i32
        %add3A_95 = arith.addi %add3A_94, %mul3A_91 : i32
        %multiple_of3A_96 = tpu.assume_multiple %add3A_95, 16 : i32
        %get3A_97 = arith.index_cast %multiple_of3A_96 : i32 to index
        %get3A_98 = tpu.vector_load %arg15[%get3A_97] {strides = array<i32>} : memref<8192xf32, #tpu.memory_space<vmem>>, vector<16xf32>,
        %add3A_99 = arith.addf %get3A_93, %get3A_98 : vector<16xf32>
        %add3A_100 = arith.constant 1024 : i32
        %add3A_101 = arith.addi %add3A_100, %mul3A_91 : i32
        %multiple_of3A_102 = tpu.assume_multiple %add3A_101, 16 : i32
        %get3A_103 = arith.index_cast %multiple_of3A_102 : i32 to index
        %get3A_104 = tpu.vector_load %arg15[%get3A_103] {strides = array<i32>} : memref<8192xf32, #tpu.memory_space<vmem>>, vector<16xf32>,
        %add3A_105 = arith.addf %add3A_99, %get3A_104 : vector<16xf32>
        %add3A_106 = arith.constant 1536 : i32
        %add3A_107 = arith.addi %add3A_106, %mul3A_91 : i32
        %multiple_of3A_108 = tpu.assume_multiple %add3A_107, 16 : i32
        %get3A_109 = arith.index_cast %multiple_of3A_108 : i32 to index
        %get3A_110 = tpu.vector_load %arg15[%get3A_109] {strides = array<i32>} : memref<8192xf32, #tpu.memory_space<vmem>>, vector<16xf32>,
        %add3A_111 = arith.addf %add3A_105, %get3A_110 : vector<16xf32>
        %add3A_112 = arith.constant 2048 : i32
        %add3A_113 = arith.addi %add3A_112, %mul3A_91 : i32
        %multiple_of3A_114 = tpu.assume_multiple %add3A_113, 16 : i32
        %get3A_115 = arith.index_cast %multiple_of3A_114 : i32 to index
        %get3A_116 = tpu.vector_load %arg15[%get3A_115] {strides = array<i32>} : memref<8192xf32, #tpu.memory_space<vmem>>, vector<16xf32>,
        %add3A_117 = arith.addf %add3A_111, %get3A_116 : vector<16xf32>
        %add3A_118 = arith.constant 2560 : i32
        %add3A_119 = arith.addi %add3A_118, %mul3A_91 : i32
        %multiple_of3A_120 = tpu.assume_multiple %add3A_119, 16 : i32
        %get3A_121 = arith.index_cast %multiple_of3A_120 : i32 to index
        %get3A_122 = tpu.vector_load %arg15[%get3A_121] {strides = array<i32>} : memref<8192xf32, #tpu.memory_space<vmem>>, vector<16xf32>,
        %add3A_123 = arith.addf %add3A_117, %get3A_122 : vector<16xf32>
        %add3A_124 = arith.constant 3072 : i32
        %add3A_125 = arith.addi %add3A_124, %mul3A_91 : i32
        %multiple_of3A_126 = tpu.assume_multiple %add3A_125, 16 : i32
        %get3A_127 = arith.index_cast %multiple_of3A_126 : i32 to index
        %get3A_128 = tpu.vector_load %arg15[%get3A_127] {strides = array<i32>} : memref<8192xf32, #tpu.memory_space<vmem>>, vector<16xf32>,
        %add3A_129 = arith.addf %add3A_123, %get3A_128 : vector<16xf32>
        %add3A_130 = arith.constant 3584 : i32
        %add3A_131 = arith.addi %add3A_130, %mul3A_91 : i32
        %multiple_of3A_132 = tpu.assume_multiple %add3A_131, 16 : i32
        %get3A_133 = arith.index_cast %multiple_of3A_132 : i32 to index
        %get3A_134 = tpu.vector_load %arg15[%get3A_133] {strides = array<i32>} : memref<8192xf32, #tpu.memory_space<vmem>>, vector<16xf32>,
        %add3A_135 = arith.addf %add3A_129, %get3A_134 : vector<16xf32>
        %add3A_136 = arith.constant 4096 : i32
        %add3A_137 = arith.addi %add3A_136, %mul3A_91 : i32
        %multiple_of3A_138 = tpu.assume_multiple %add3A_137, 16 : i32
        %get3A_139 = arith.index_cast %multiple_of3A_138 : i32 to index
        %get3A_140 = tpu.vector_load %arg15[%get3A_139] {strides = array<i32>} : memref<8192xf32, #tpu.memory_space<vmem>>, vector<16xf32>,
        %add3A_141 = arith.addf %add3A_135, %get3A_140 : vector<16xf32>
        %add3A_142 = arith.constant 4608 : i32
        %add3A_143 = arith.addi %add3A_142, %mul3A_91 : i32
        %multiple_of3A_144 = tpu.assume_multiple %add3A_143, 16 : i32
        %get3A_145 = arith.index_cast %multiple_of3A_144 : i32 to index
        %get3A_146 = tpu.vector_load %arg15[%get3A_145] {strides = array<i32>} : memref<8192xf32, #tpu.memory_space<vmem>>, vector<16xf32>,
        %add3A_147 = arith.addf %add3A_141, %get3A_146 : vector<16xf32>
        %add3A_148 = arith.constant 5120 : i32
        %add3A_149 = arith.addi %add3A_148, %mul3A_91 : i32
        %multiple_of3A_150 = tpu.assume_multiple %add3A_149, 16 : i32
        %get3A_151 = arith.index_cast %multiple_of3A_150 : i32 to index
        %get3A_152 = tpu.vector_load %arg15[%get3A_151] {strides = array<i32>} : memref<8192xf32, #tpu.memory_space<vmem>>, vector<16xf32>,
        %add3A_153 = arith.addf %add3A_147, %get3A_152 : vector<16xf32>
        %add3A_154 = arith.constant 5632 : i32
        %add3A_155 = arith.addi %add3A_154, %mul3A_91 : i32
        %multiple_of3A_156 = tpu.assume_multiple %add3A_155, 16 : i32
        %get3A_157 = arith.index_cast %multiple_of3A_156 : i32 to index
        %get3A_158 = tpu.vector_load %arg15[%get3A_157] {strides = array<i32>} : memref<8192xf32, #tpu.memory_space<vmem>>, vector<16xf32>,
        %add3A_159 = arith.addf %add3A_153, %get3A_158 : vector<16xf32>
        %add3A_160 = arith.constant 6144 : i32
        %add3A_161 = arith.addi %add3A_160, %mul3A_91 : i32
        %multiple_of3A_162 = tpu.assume_multiple %add3A_161, 16 : i32
        %get3A_163 = arith.index_cast %multiple_of3A_162 : i32 to index
        %get3A_164 = tpu.vector_load %arg15[%get3A_163] {strides = array<i32>} : memref<8192xf32, #tpu.memory_space<vmem>>, vector<16xf32>,
        %add3A_165 = arith.addf %add3A_159, %get3A_164 : vector<16xf32>
        %add3A_166 = arith.constant 6656 : i32
        %add3A_167 = arith.addi %add3A_166, %mul3A_91 : i32
        %multiple_of3A_168 = tpu.assume_multiple %add3A_167, 16 : i32
        %get3A_169 = arith.index_cast %multiple_of3A_168 : i32 to index
        %get3A_170 = tpu.vector_load %arg15[%get3A_169] {strides = array<i32>} : memref<8192xf32, #tpu.memory_space<vmem>>, vector<16xf32>,
        %add3A_171 = arith.addf %add3A_165, %get3A_170 : vector<16xf32>
        %add3A_172 = arith.constant 7168 : i32
        %add3A_173 = arith.addi %add3A_172, %mul3A_91 : i32
        %multiple_of3A_174 = tpu.assume_multiple %add3A_173, 16 : i32
        %get3A_175 = arith.index_cast %multiple_of3A_174 : i32 to index
        %get3A_176 = tpu.vector_load %arg15[%get3A_175] {strides = array<i32>} : memref<8192xf32, #tpu.memory_space<vmem>>, vector<16xf32>,
        %add3A_177 = arith.addf %add3A_171, %get3A_176 : vector<16xf32>
        %add3A_178 = arith.constant 7680 : i32
        %add3A_179 = arith.addi %add3A_178, %mul3A_91 : i32
        %multiple_of3A_180 = tpu.assume_multiple %add3A_179, 16 : i32
        %get3A_181 = arith.index_cast %multiple_of3A_180 : i32 to index
        %get3A_182 = tpu.vector_load %arg15[%get3A_181] {strides = array<i32>} : memref<8192xf32, #tpu.memory_space<vmem>>, vector<16xf32>,
        %add3A_183 = arith.addf %add3A_177, %get3A_182 : vector<16xf32>
        %multiple_of3A_184 = tpu.assume_multiple %mul3A_91, 16 : i32
        %swap3A = arith.index_cast %multiple_of3A_184 : i32 to index
        %swap3A_185 = tpu.vector_load %arg14[%swap3A] {strides = array<i32>} : memref<512xf32, #tpu.memory_space<vmem>>, vector<16xf32>,
        tpu.vector_store %arg14[%swap3A], %add3A_183 {strides = array<i32>} : memref<512xf32, #tpu.memory_space<vmem>>, vector<16xf32>,
        %scan3A_186 = arith.constant 0 : i32
        scf.yield %scan3A_186 : i32
      }
      %scan3A_87 = arith.constant 32 : i32
      "tpu.region"() ({
        %run_scoped3A = tpu.sem_alloc : memref<!tpu.dma_semaphore, #tpu.memory_space<semaphore_mem>>
        %dma_start3A = arith.constant 0 : i32
        %dma_start3A_88 = tpu.memref_slice %arg6[%arg0, %dma_start3A] : memref<2x512xf32, #tpu.memory_space<hbm>> -> memref<1x512xf32, #tpu.memory_space<hbm>>
        %dma_start3A_89 = tpu.memref_squeeze %dma_start3A_88 : memref<1x512xf32, #tpu.memory_space<hbm>> -> memref<512xf32, #tpu.memory_space<hbm>>
        %dma_start3A_90 = arith.constant 0 : i32
        %dma_start3A_91 = tpu.memref_slice %arg6[%arg0, %dma_start3A_90] : memref<2x512xf32, #tpu.memory_space<hbm>> -> memref<1x512xf32, #tpu.memory_space<hbm>>
        %dma_start3A_92 = tpu.memref_squeeze %dma_start3A_91 : memref<1x512xf32, #tpu.memory_space<hbm>> -> memref<512xf32, #tpu.memory_space<hbm>>
        tpu.enqueue_dma source(%arg14 : memref<512xf32, #tpu.memory_space<vmem>>) target(%dma_start3A_92 : memref<512xf32, #tpu.memory_space<hbm>>) target_semaphore(%run_scoped3A : memref<!tpu.dma_semaphore, #tpu.memory_space<semaphore_mem>>)
        %dma_wait3A = arith.constant 0 : i32
        %dma_wait3A_93 = tpu.memref_slice %arg6[%arg0, %dma_wait3A] : memref<2x512xf32, #tpu.memory_space<hbm>> -> memref<1x512xf32, #tpu.memory_space<hbm>>
        %dma_wait3A_94 = tpu.memref_squeeze %dma_wait3A_93 : memref<1x512xf32, #tpu.memory_space<hbm>> -> memref<512xf32, #tpu.memory_space<hbm>>
        %dma_wait3A_95 = arith.constant 0 : i32
        %dma_wait3A_96 = tpu.memref_slice %arg6[%arg0, %dma_wait3A_95] : memref<2x512xf32, #tpu.memory_space<hbm>> -> memref<1x512xf32, #tpu.memory_space<hbm>>
        %dma_wait3A_97 = tpu.memref_squeeze %dma_wait3A_96 : memref<1x512xf32, #tpu.memory_space<hbm>> -> memref<512xf32, #tpu.memory_space<hbm>>
        tpu.wait_dma2 semaphore(%run_scoped3A : memref<!tpu.dma_semaphore, #tpu.memory_space<semaphore_mem>>) src(%arg14 : memref<512xf32, #tpu.memory_space<vmem>>) dst(%dma_wait3A_97 : memref<512xf32, #tpu.memory_space<hbm>>)
        tpu.yield
      }) : () -> ()
    } else {
    }
    return
  }
}

</mosaic_0001>

<sc_bundles>
// kernel: _coulomb_sc.3.cloned.1.call-start
scs
__scs_entry_jumppad:
0x0: {  	(pc) =	sbr.rel $0x88, $3  }
0x1: {  	(tag) =	ssettag $0x0;
	lr =	simm.s32 $0x1  }
0x2: {  	[smem:$0x3F9D] =	sst lr;
	_ =	strace $0xD0000000  }
0x3: {  	_ = 	snop  }
0x4: {  	_ = 	snop  }
0x5: {  	_ = 	snop  }
0x6: {  	_ = 	snop  }
0x7: {  	_ = 	snop  }
__scs_overlays_trampoline_lowered:
0x8: {  	[smem:$0x3FAC] =	sst s0  }
0x9: {  	[smem:$0x3FAD] =	sst s1  }
0xa: {  	[smem:$0x3FAE] =	sst s2  }
0xb: {  	[smem:$0x3FAF] =	sst s3  }
0xc: {  	[smem:$0x3FB0] =	sst s4  }
0xd: {  	[smem:$0x3FB1] =	sst s5  }
0xe: {  	[smem:$0x3FB2] =	sst s6  }
0xf: {  	[smem:$0x3FB3] =	sst s7  }
0x10: {  	[smem:$0x3FB4] =	sst s8  }
0x11: {  	[smem:$0x3FB5] =	sst s9;
	s0 =	simm.s32 @!p0 $0x0  }
0x12: {  	s1 =	sld [smem:$0x3F9B];
	s0 =	simm.s32 @p0 $0x1  }
0x13: {  	[smem:$0x3FB6] =	sst s0;
	s0 =	simm.s32 @!p1 $0x0  }
0x14: {  	s2 =	sld [smem:$0x3F9A];
	s0 =	simm.s32 @p1 $0x1  }
0x15: {  	[smem:$0x3FB7] =	sst s0;
	s0 =	simm.s32 @!p2 $0x0  }
0x16: {  	s3 =	sld [smem:$0x3FDB];
	s0 =	simm.s32 @p2 $0x1  }
0x17: {  	s4 =	simm.s32 $0x1BF5;
	[smem:$0x3FB9] =	sst s0  }
0x18: {  	s0 =	sld [smem:$0x3F9C];
	_ =	swait.ge [sflag:s4], $0x0  }
0x19: {  	s7 =	sld [smem:$0x3F9D]  }
0x1a: {  	s8 =	sadd.s32 $0xFFFFE003, lr  }
0x1b: {  	s9 =	sadd.s32 $0xFFFFFEF7, lr;
	s5 =	simm.s32 $0xFFFFFFFF;
	p2 =	slt.u32 s8, $0xFFFFF086  }
0x1c: {  	p1 =	slt.u32 s9, $0xF7A;
	s5 =	simm.s32 @!p2 $0x0  }
0x1d: {  	s5 =	simm.s32 @p1 $0x1;
	p0 =	seq.s32 s7, s2  }
0x1e: {  	s7 =	smul.u32 @!p0 $0xF7A, s2;
	p2 =	seq.s32 @!p0 s5, $0x0  }
0x1f: {  	s9 =	smul.u32 $0xF7A, s1;
	s8 =	simm.s32 @!p0 $0x1BF5;
	p2 =	por !p2, p0  }
0x20: {  	[sflag:s8] =	ssyncset.s32 @!p0 $0xFFFFF086;
	s6 =	sadd.s32 @!p0 s3, s7;
	s7 =	simm.s32 @!p0 $0x108  }
0x21: {  	s3 =	sadd.s32 s3, s9;
	s6 =	sadd.s32 @!p0 $0x88, s6;
	s7 =	simm.s32 @p2 $0x1082  }
0x22: {  	[simem:s7], [sflag:s8] =	dma.local @!p0 [hbm:s6], $0xF7A  }
0x23: {  	s9 =	sor.u32 $0xD0000000, s2;
	s6 =	simm.s32 $0x108;
	_ =	swait.ge @!p0 [sflag:s8], $0x0  }
0x24: {  	s3 =	sadd.s32 $0x88, s3;
	s6 =	simm.s32 @!p1 $0x1082;
	[sflag:s4] =	ssyncset.s32 $0xFFFFF086  }
0x25: {  	[simem:s6], [sflag:s4] =	dma.local [hbm:s3], $0xF7A  }
0x26: {  	[smem:$0x3F9D] =	sst s1;
	(tag) =	ssettag s2;
	_ =	strace s9  }
0x27: {  	s1 =	sld [smem:$0x3FAD]  }
0x28: {  	s2 =	sld [smem:$0x3FAE]  }
0x29: {  	s4 =	sld [smem:$0x3FB0]  }
0x2a: {  	p0 =	seq.s32 s5, $0x0;
	s5 =	sld [smem:$0x3FB1]  }
0x2b: {  	s6 =	sld [smem:$0x3FB2]  }
0x2c: {  	s7 =	sld [smem:$0x3FB3]  }
0x2d: {  	s3 =	simm.s32 $0x108;
	s8 =	sld [smem:$0x3FB4]  }
0x2e: {  	s3 =	simm.s32 @!p0 $0x1082;
	s9 =	sld [smem:$0x3FB5]  }
0x2f: {  	lr =	sadd.s32 s0, s3;
	s0 =	sld [smem:$0x3FAC]  }
0x30: {  	s3 =	sld [smem:$0x3FAF]  }
0x31: {  	[smem:$0x3FB8] =	sst s10  }
0x32: {  	s10 =	sld [smem:$0x3FB6];
	_ =	sdelay $0x3  }
0x33: {  	p0 =	seq.s32 s10, $0x1;
	s10 =	sld [smem:$0x3FB8];
	_ =	sdelay $0x3  }
0x34: {  	[smem:$0x3FB8] =	sst s10  }
0x35: {  	s10 =	sld [smem:$0x3FB7];
	_ =	sdelay $0x3  }
0x36: {  	p1 =	seq.s32 s10, $0x1;
	s10 =	sld [smem:$0x3FB8];
	_ =	sdelay $0x3  }
0x37: {  	[smem:$0x3FB8] =	sst s10  }
0x38: {  	s10 =	sld [smem:$0x3FB9]  }
0x39: {  	_ = 	snop;
	(pc) =	sbr.ind lr, $3  }
0x3a: {  	_ = 	snop  }
0x3b: {  	_ = 	snop  }
0x3c: {  	p2 =	seq.s32 s10, $0x1;
	s10 =	sld [smem:$0x3FB8]  }
0x3d: {  	_ =	shalt  }
0x3e: {  	_ =	shalt  }
0x3f: {  	_ =	shalt  }
0x40: {  	_ =	shalt  }
0x41: {  	_ =	shalt  }
0x42: {  	_ =	shalt  }
0x43: {  	_ =	shalt  }
0x44: {  	_ =	shalt  }
0x45: {  	_ =	shalt  }
0x46: {  	_ =	shalt  }
0x47: {  	_ =	shalt  }
0x48: {  	_ =	shalt  }
0x49: {  	_ =	shalt  }
0x4a: {  	_ =	shalt  }
0x4b: {  	_ =	shalt  }
0x4c: {  	_ =	shalt  }
0x4d: {  	_ =	shalt  }
0x4e: {  	_ =	shalt  }
0x4f: {  	_ =	shalt  }
0x50: {  	_ =	shalt  }
0x51: {  	_ =	shalt  }
0x52: {  	_ =	shalt  }
0x53: {  	_ =	shalt  }
0x54: {  	_ =	shalt  }
0x55: {  	_ =	shalt  }
0x56: {  	_ =	shalt  }
0x57: {  	_ =	shalt  }
0x58: {  	_ =	shalt  }
0x59: {  	_ =	shalt  }
0x5a: {  	_ =	shalt  }
0x5b: {  	_ =	shalt  }
0x5c: {  	_ =	shalt  }
0x5d: {  	_ =	shalt  }
0x5e: {  	_ =	shalt  }
0x5f: {  	_ =	shalt  }
0x60: {  	_ =	shalt  }
0x61: {  	_ =	shalt  }
0x62: {  	_ =	shalt  }
0x63: {  	_ =	shalt  }
0x64: {  	_ =	shalt  }
0x65: {  	_ =	shalt  }
0x66: {  	_ =	shalt  }
0x67: {  	_ =	shalt  }
0x68: {  	_ =	shalt  }
0x69: {  	_ =	shalt  }
0x6a: {  	_ =	shalt  }
0x6b: {  	_ =	shalt  }
0x6c: {  	_ =	shalt  }
0x6d: {  	_ =	shalt  }
0x6e: {  	_ =	shalt  }
0x6f: {  	_ =	shalt  }
0x70: {  	_ =	shalt  }
0x71: {  	_ =	shalt  }
0x72: {  	_ =	shalt  }
0x73: {  	_ =	shalt  }
0x74: {  	_ =	shalt  }
0x75: {  	_ =	shalt  }
0x76: {  	_ =	shalt  }
0x77: {  	_ =	shalt  }
0x78: {  	_ =	shalt  }
0x79: {  	_ =	shalt  }
0x7a: {  	_ =	shalt  }
0x7b: {  	_ =	shalt  }
0x7c: {  	_ =	shalt  }
0x7d: {  	_ =	shalt  }
0x7e: {  	_ =	shalt  }
0x7f: {  	_ =	shalt  }
0x80: {  	_ =	shalt  }
0x81: {  	_ =	shalt  }
0x82: {  	_ =	shalt  }
0x83: {  	_ =	shalt  }
0x84: {  	_ =	shalt  }
0x85: {  	_ =	shalt  }
0x86: {  	_ =	shalt  }
0x87: {  	_ =	shalt  }
.Lfunc_end0:
.L_simem_size_0:
called_computation_lowered:
.L_overlay_start_0:
0x88: {  	s2 =	sld [smem:$0x3FD9]  }
0x89: {  	s3 =	sld [smem:$0x3FFE];
	_ =	sdelay $0x1  }
0x8a: {  	s1 =	srdreg.scid  }
0x8b: {  	s0 =	sand.u32 $0x1, s1  }
0x8c: {  	s18 =	sshll.u32 s0, $0xA;
	s2 =	sadd.s32 s3, s2  }
0x8d: {  	s2 =	sadd.s32 s2, s18  }
0x8e: {  	[smem:$0x3FC4] =	sst s2  }
0x8f: {  	_ = 	snop  }
0x90: {  	s2 =	sld [smem:$0x3FC9]  }
0x91: {  	s19 =	sld [smem:$0x3FC8]  }
0x92: {  	s4 =	sld [smem:$0x3FC7]  }
0x93: {  	s5 =	sld [smem:$0x3FC6]  }
0x94: {  	s6 =	sld [smem:$0x3FD0];
	(tm) =	ssettm $0x1  }
0x95: {  	s7 =	sld [smem:$0x3FFB];
	_ =	sdelay $0x3  }
0x96: {  	_ =	strace s7  }
0x97: {  	s7 =	sld [smem:$0x3FFC];
	_ =	sdelay $0x3  }
0x98: {  	_ =	strace s7  }
0x99: {  	s7 =	sld [smem:$0x3FFD];
	_ =	sdelay $0x3  }
0x9a: {  	_ =	strace s7  }
0x9b: {  	_ =	strace $0x8FFFFFFF  }
0x9c: {  	s20 =	sld [smem:$0x3FDB];
	_ =	sdelay $0x1  }
0x9d: {  	s8 =	simm.s32 $_scs_section_size  }
0x9e: {  	s9 =	simm.s32 $_size__tile_overlayer_lowered;
	s10 =	simm.s32 $_tile_overlayer_lowered  }
0x9f: {  	s23 =	simm.s32 $0x1BFF;
	s22 =	sshll.u32 s10, $0x1;
	s7 =	sadd.s32 s8, s20  }
0xa0: {  	s11 =	simm.s32 $0x0;
	s21 =	sshll.u32 s9, $0x1;
	s9 =	sadd.s32 s22, s7  }
0xa1: {  	[timem:s11], [sflag:s23] =	dma.local [hbm:s9], s21  }
0xa2: {  	_ =	swait.ge [sflag:s23], s21  }
0xa3: {  	s8 =	ssub.s32 $0x0, s21;
	[sflag:s23] =	ssyncset.done $0x0  }
0xa4: {  	[sflag:s23] =	ssyncadd.s32 s8;
	_ =	sdelay $0x1  }
0xa5: {  	s24 =	simm.s32 $0x1B8B  }
0xa6: {  	_ =	swait.ge [sflag:s24], $0x1  }
0xa7: {  	[sflag:s24] =	ssyncset.done $0x0  }
0xa8: {  	s25 =	simm.s32 $0x1B8E;
	[sflag:s24] =	ssyncadd.s32 $0xFFFFFFFF  }
0xa9: {  	s26 =	simm.s32 $execute0_lowered;
	[smem:$0x3FD2] =	sst s25  }
0xaa: {  	s8 =	sshll.u32 s26, $0x1;
	_ =	strace $0x80000046;
	[dreg:$0x1] =	wrdreg $0xFFFFFFFF  }
0xab: {  	s28 =	simm.s32 $_size_execute0_lowered;
	s7 =	sadd.s32 s7, s8;
	[dreg:$0x0] =	wrdreg $0x0  }
0xac: {  	s8 =	sshll.u32 s28, $0x1;
	[dreg:$0x2] =	wrdreg s7  }
0xad: {  	[dreg:$0x3] =	wrdreg s8  }
0xae: {  	[dreg:$0x4] =	wrdreg $0xC0  }
0xaf: {  	_ =	task [dreg:s11], $0x5FFFF  }
0xb0: {  	[dreg:$0x1] =	wrdreg $0xFFFFFFFF  }
0xb1: {  	[dreg:$0x0] =	wrdreg $0x60  }
0xb2: {  	[dreg:$0x2] =	wrdreg s2  }
0xb3: {  	[dreg:$0x3] =	wrdreg s19  }
0xb4: {  	[dreg:$0x4] =	wrdreg s4  }
0xb5: {  	[dreg:$0x5] =	wrdreg s5  }
0xb6: {  	[dreg:$0x6] =	wrdreg s6  }
0xb7: {  	[dreg:$0x7] =	wrdreg $0x1B3800  }
0xb8: {  	[dreg:$0x8] =	wrdreg $0x1B1800  }
0xb9: {  	[dreg:$0x9] =	wrdreg $0x9  }
0xba: {  	_ =	task.clear_ibuf [dreg:s11], $0xAFFFF;
	_ =	strace $0x90000046  }
0xbb: {  	s29 =	simm.s32 $0x9;
	_ =	strace $0x80000048  }
0xbc: {  	_ =	swait.ge [sflag:s29], $0x1  }
0xbd: {  	[sflag:s29] =	ssyncadd.s32 $0xFFFFFFFF  }
0xbe: {  	_ =	strace $0x90000048  }
0xbf: {  	_ =	sfence  }
0xc0: {  	s30 =	sld [smem:$0x0];
	_ =	sdelay $0x2  }
0xc1: {  	s31 =	sshll.u32 s1, $0xD;
	s1 =	sshrl.u32 s1, $0x2  }
0xc2: {  	s3 =	sand.u32 $0x4000, s31;
	s1 =	sadd.s32 s1, s30  }
0xc3: {  	s0 =	sor.u32 s3, s0;
	s1 =	sshll.u32 s1, $0x11  }
0xc4: {  	s0 =	sor.u32 s1, s0  }
0xc5: {  	s0 =	sadd.s32 $0x8F2B, s0  }
0xc6: {  	[sflag:s0] =	ssyncadd.remote.s32 $0x1  }
0xc7: {  	_ =	sfence.sel $0xFFFF  }
0xc8: {  	[dreg:$0x0] =	wrdreg $0xFFFFFFFF;
	(pc) =	sbr.abs _section_cstart, $3  }
0xc9: {  	[dreg:$0x1] =	wrdreg $0xFFFFFFFF  }
0xca: {  	_ =	task.clear_ibuf [dreg:s11], $0x2FFFF;
	_ =	strace $0x9FFFFFFF  }
0xcb: {  	(tm) =	ssettm $0x7FFFFFFF  }
tec
execute0_lowered:
.L_overlay_start_1:
0x0: {  	(tag) =	ssettag $0x1  }
0x1: {  	s0 =	rddreg [dreg:$0x1]  }
0x2: {  	s1 =	rddreg [dreg:$0x2]  }
0x3: {  	s3 =	rddreg [dreg:$0x3]  }
0x4: {  	s17 =	rddreg [dreg:$0x4]  }
0x5: {  	s2 =	rddreg [dreg:$0x6];
	s5 =	srdreg.scid  }
0x6: {  	s20 =	stileid.u32;
	s4 =	simm.s32 $0x0;
	s28 =	simm.s32 $0x2  }
0x7: {  	s29 =	simm.s32 $0x18F80;
	s18 =	sand.u32 $0x1, s5;
	s21 =	sshll.u32 s20, $0x1  }
0x8: {  	s30 =	simm.s32 $0x3;
	s31 =	simm.s32 $0x0;
	s21 =	sor.u32 s18, s21  }
0x9: {  	[smem:$0x7FF] =	sst s4;
	p0 =	sne.s32 s20, $0x0;
	s11 =	smul.u32 $0x640, s21  }
0xa: {  	s22 =	ssub.s32 $0x2, s18;
	s7 =	smul.u32 $0x32, s21;
	s8 =	sor.u32 $0x20, s21  }
0xb: {  	_ =	strace $0x80000047;
	s6 =	sshrl.u32 s22, $0x1;
	s15 =	smul.u32 $0x640, s8  }
0xc: {  	s12 =	sor.u32 $0x40, s21;
	s13 =	sor.u32 $0x60, s21;
	s10 =	smul.u32 $0x32, s8  }
0xd: {  	p1 =	sgt.u32 s21, $0x1C;
	s19 =	ssub.s32 s22, s6;
	s22 =	smul.u32 $0x640, s12  }
0xe: {  	s21 =	simm.s32 $0x12780;
	s12 =	smul.u32 $0x32, s12;
	s23 =	sadd.s32 s0, s11  }
0xf: {  	s14 =	smul.u32 $0x32, s13;
	s24 =	sadd.s32 s1, s11;
	[dreg:$0x8] =	wrdreg s23  }
0x10: {  	s6 =	sshll.u32 s20, $0x9;
	s25 =	sadd.s32 s3, s7;
	[dreg:$0x9] =	wrdreg s24  }
0x11: {  	s20 =	simm.s32 $0xC380;
	s19 =	smax.u32 s19, $0x1;
	[dreg:$0xa] =	wrdreg s25  }
0x12: {  	s8 =	sadd.s32 s0, s15;
	s9 =	sadd.s32 s1, s15;
	s10 =	sadd.s32 s3, s10  }
0x13: {  	s24 =	sshrl.u32 s11, $0x2;
	s11 =	sadd.s32 s0, s22;
	s12 =	sadd.s32 s3, s12  }
0x14: {  	s23 =	smul.u32 $0x640, s13;
	s13 =	sadd.s32 s3, s14;
	s14 =	sadd.s32 s1, s22  }
.Ltmp0:
0x15: {  	s26 =	sshrl.u32 s15, $0x2;
	s5 =	sshrl.u32 s22, $0x2;
	(pc) =	sbr.rel .LBB2_1-.Ltmp0, $4  }
0x16: {  	s22 =	simm.s32 $0x18B80;
	s25 =	simm.s32 $0x18D80;
	v0 =	vmov s24;
	s24 =	simm.s32 $0x15980  }
0x17: {  	v1 =	vmov s26;
	s26 =	simm.s32 $0x4;
	s16 =	sadd.s32 s1, s23;
	s1 =	sshll.u32 s18, $0x4  }
0x18: {  	v4 =	vimm.f32 $0.0e+00;
	v5 =	vlaneseq.u32;
	vm1 =	vmmov $0x7fff;
	s15 =	sadd.s32 s0, s23;
	s7 =	sshrl.u32 s23, $0x2;
	s0 =	sadd.s32 s17, s1  }
0x19: {  	v6 =	vmul.u32 $0x20, v5;
	v2 =	vmov s5;
	s18 =	sadd.s32 s6, s2;
	s23 =	simm.s32 $0xF580;
	v3 =	vmov s7;
	[dreg:$0xb] =	wrdreg s0  }
.LBB2_18:
0x1a: {  	[spmem:s18] =	stream.linear.scatter [tilespmem:s29], [sflag:$0x4], $0x200, $0x38;
	[tilespmem:$0x1BFB8] =	vst v63  }
.Ltmp1:
0x1b: {  	_ =	swait.ge [sflag:s26], $0x200;
	(pc) =	sbr.rel @!p0 .LBB2_19-.Ltmp1, $3  }
0x1c: {  	[sflag:s26] =	ssyncset.done $0x0  }
0x1d: {  	[sflag:s26] =	ssyncadd.s32 $0xFFFFFE00  }
0x1e: {  	[bflag:$0x0] =	sbarrier.arrive $0xFFFF;
	_ =	sdelay $0x1  }
.LBB2_22:
0x1f: {  	s31 =	sadd.s32 $0x1, s31  }
0x20: {  	p2 =	sne.s32 s31, s19  }
.Ltmp2:
0x21: {  	_ = 	snop;
	(pc) =	sbr.rel @!p2 .LBB2_23-.Ltmp2, $1  }
0x22: {  	_ =	sdelay $0x3  }
.LBB2_1:
0x23: {  	s3 =	rddreg [dreg:$0x5]  }
0x24: {  	s1 =	simm.s32 @!p0 $0x1C01;
	s2 =	rddreg [dreg:$0x0];
	s0 =	sshrl.u32 @!p0 s3, $0x3  }
0x25: {  	[spmem:s0], [sflag:s1] =	dma.local @!p0 [hbm:s2], $0x1870  }
0x26: {  	s0 =	rddreg [dreg:$0x8]  }
0x27: {  	[tilespmem:s20], [sflag:$0x2] =	stream.linear.gather [hbm4b:s0+s4], $0x3200, $0x38;
	[tilespmem:$0x1BFB8] =	vst v63  }
0x28: {  	s7 =	rddreg [dreg:$0x9]  }
0x29: {  	[tilespmem:s21], [sflag:$0x2] =	stream.linear.gather [hbm4b:s7+s4], $0x3200, $0x38;
	[tilespmem:$0x1BFB8] =	vst v63  }
0x2a: {  	s17 =	rddreg [dreg:$0xa]  }
0x2b: {  	[tilespmem:s22], [sflag:$0x2] =	stream.linear.gather [hbm4b:s17+s4], $0x190, $0x38;
	[tilespmem:$0x1BFB8] =	vst v63  }
0x2c: {  	_ = 	snop  }
0x2d: {  	[tilespmem:s23], [sflag:$0x3] =	stream.linear.gather [hbm4b:s8+s4], $0x3200, $0x38;
	[tilespmem:$0x1BFB8] =	vst v63  }
0x2e: {  	_ = 	snop  }
0x2f: {  	[tilespmem:s24], [sflag:$0x3] =	stream.linear.gather [hbm4b:s9+s4], $0x3200, $0x38;
	[tilespmem:$0x1BFB8] =	vst v63  }
0x30: {  	_ = 	snop  }
0x31: {  	[tilespmem:s25], [sflag:$0x3] =	stream.linear.gather [hbm4b:s10+s4], $0x190, $0x38;
	[tilespmem:$0x1BFB8] =	vst v63  }
0x32: {  	[tilespmem:$0x18F80] =	vst v4  }
0x33: {  	[tilespmem:$0x18F90] =	vst v4  }
0x34: {  	[tilespmem:$0x18FA0] =	vst v4  }
0x35: {  	[tilespmem:$0x18FB0] =	vst v4  }
0x36: {  	[tilespmem:$0x18FC0] =	vst v4  }
0x37: {  	[tilespmem:$0x18FD0] =	vst v4  }
0x38: {  	[tilespmem:$0x18FE0] =	vst v4  }
0x39: {  	[tilespmem:$0x18FF0] =	vst v4  }
0x3a: {  	[tilespmem:$0x19000] =	vst v4  }
0x3b: {  	[tilespmem:$0x19010] =	vst v4  }
0x3c: {  	[tilespmem:$0x19020] =	vst v4  }
0x3d: {  	[tilespmem:$0x19030] =	vst v4  }
0x3e: {  	[tilespmem:$0x19040] =	vst v4  }
0x3f: {  	[tilespmem:$0x19050] =	vst v4  }
0x40: {  	[tilespmem:$0x19060] =	vst v4  }
0x41: {  	[tilespmem:$0x19070] =	vst v4  }
0x42: {  	[tilespmem:$0x19080] =	vst v4  }
0x43: {  	[tilespmem:$0x19090] =	vst v4  }
0x44: {  	[tilespmem:$0x190A0] =	vst v4  }
0x45: {  	[tilespmem:$0x190B0] =	vst v4  }
0x46: {  	[tilespmem:$0x190C0] =	vst v4  }
0x47: {  	[tilespmem:$0x190D0] =	vst v4  }
0x48: {  	[tilespmem:$0x190E0] =	vst v4  }
0x49: {  	[tilespmem:$0x190F0] =	vst v4  }
0x4a: {  	[tilespmem:$0x19100] =	vst v4  }
0x4b: {  	[tilespmem:$0x19110] =	vst v4  }
0x4c: {  	[tilespmem:$0x19120] =	vst v4  }
0x4d: {  	[tilespmem:$0x19130] =	vst v4  }
0x4e: {  	[tilespmem:$0x19140] =	vst v4  }
0x4f: {  	[tilespmem:$0x19150] =	vst v4  }
0x50: {  	[tilespmem:$0x19160] =	vst v4  }
0x51: {  	s0 =	simm.s32 @!p0 $0x1;
	[tilespmem:$0x19170] =	vst v4  }
0x52: {  	_ =	swait.ge @!p0 [sflag:s0], $0x1870  }
0x53: {  	[sflag:s0] =	ssyncset.done @!p0 $0x0  }
0x54: {  	[sflag:s0] =	ssyncadd.s32 @!p0 $0xFFFFE790  }
0x55: {  	[bflag:$0x0] =	sbarrier.arrive $0xFFFF  }
0x56: {  	[tilespmem:s4], [sflag:$0x4] =	stream.linear.gather [spmem:s3], $0xC380, $0x38;
	[tilespmem:$0x1BFB8] =	vst v63  }
0x57: {  	_ =	swait.ge [sflag:s26], $0xC380  }
0x58: {  	[sflag:s26] =	ssyncset.done $0x0  }
0x59: {  	[sflag:s26] =	ssyncadd.s32 $0xFFFF3C80  }
0x5a: {  	_ =	swait.ge [sflag:s28], $0x3200  }
0x5b: {  	[sflag:s28] =	ssyncset.done $0x0  }
0x5c: {  	[sflag:s28] =	ssyncadd.s32 $0xFFFFCE00  }
0x5d: {  	_ =	swait.ge [sflag:s28], $0x3200  }
0x5e: {  	[sflag:s28] =	ssyncset.done $0x0  }
0x5f: {  	[sflag:s28] =	ssyncadd.s32 $0xFFFFCE00  }
0x60: {  	_ =	swait.ge [sflag:s28], $0x190  }
0x61: {  	[sflag:s28] =	ssyncset.done $0x0  }
0x62: {  	s1 =	simm.s32 $0x0;
	s3 =	simm.s32 $0x0;
	[sflag:s28] =	ssyncadd.s32 $0xFFFFFE70  }
.LBB2_2:
0x63: {  	s0 =	sadd.s32 $0xFFFFFFF8, s1  }
0x64: {  	s17 =	sadd.s32 $0x9, s0  }
0x65: {  	s6 =	sadd.s32 $0xA, s0;
	v9 =	vor.u32 s17, v6  }
0x66: {  	s2 =	sadd.s32 $0xE, s0;
	v14 =	vor.u32 s6, v6  }
0x67: {  	s7 =	sadd.s32 $0xB, s0;
	v10 =	vor.u32 s2, v6  }
0x68: {  	s5 =	sadd.s32 $0xD, s0;
	v8 =	vor.u32 s7, v6  }
0x69: {  	v13 =	vor.u32 s5, v6  }
0x6a: {  	v7 =	vld.idx.msk [tilespmem:v9+s20+$0x0], $0xffff  }
0x6b: {  	v15 =	vld.idx.msk [tilespmem:v14+s20+$0x0], $0xffff  }
0x6c: {  	s6 =	sadd.s32 $0x8, s0;
	v18 =	vld.idx.msk [tilespmem:v10+s20+$0x0], $0xffff  }
0x6d: {  	v11 =	vor.u32 s6, v6;
	v19 =	vld.idx.msk [tilespmem:v8+s20+$0x0], $0xffff  }
0x6e: {  	v20 =	vld.idx.msk [tilespmem:v13+s20+$0x0], $0xffff  }
0x6f: {  	v12 =	vmul.f32 v7, v7  }
0x70: {  	s7 =	sadd.s32 $0xF, s0;
	s0 =	sadd.s32 $0xC, s0;
	v16 =	vmul.f32 v15, v15  }
0x71: {  	v17 =	vor.u32 s0, v6;
	(erf) = vrcp.f32 v18;
	v21 =	vmul.f32 $4.725898060e-02, v12  }
0x72: {  	v23 =	vld.idx.msk [tilespmem:v11+s20+$0x0], $0xffff;
	(erf) = vrcp.f32 v19;
	v12 =	vor.u32 s7, v6;
	v22 =	vmul.f32 $4.725898060e-02, v16  }
0x73: {  	(erf) = vrcp.f32 v20;
	v16 =	vadd.f32 $-1.000000000e+00, v21  }
0x74: {  	(erf) = vrcp.f32 v7;
	vm5 =	vlt.f32 v21, $1.000000000e+00;
	v7 =	vadd.f32 $-1.000000000e+00, v22  }
0x75: {  	(erf) = vrcp.f32 v15;
	vm3 =	vlt.f32 v22, $1.000000000e+00;
	v16 =	vnsel vm5, $0xBF800000, v16  }
0x76: {  	v24 =	vld.idx.msk [tilespmem:v17+s20+$0x0], $0xffff;
	v7 =	vnsel vm3, $0xBF800000, v7;
	(erf) = vrcp.f32 v16  }
0x77: {  	v16 =	vld.idx.msk [tilespmem:v12+s20+$0x0], $0xffff;
	(erf) = vrcp.f32 v7;
	v7 =	vmul.f32 v23, v23;
	_ =	sdelay $0x2  }
0x78: {  	v25 =	vmul.f32 v19, v19;
	v15 =	vmul.f32 v20, v20;
	v29 =	vpop (erf)  }
0x79: {  	v28 =	vmul.f32 v24, v24;
	v20 =	vmul.f32 $4.725898060e-02, v7;
	v7 =	vpop (erf)  }
0x7a: {  	v26 =	vmul.f32 $4.725898060e-02, v15;
	v15 =	vmul.f32 v16, v16;
	v30 =	vpop (erf)  }
0x7b: {  	v25 =	vmul.f32 $4.725898060e-02, v25;
	v28 =	vmul.f32 $4.725898060e-02, v28;
	v19 =	vpop (erf)  }
0x7c: {  	v31 =	vadd.f32 $-1.000000000e+00, v26;
	v27 =	vadd.f32 $-1.000000000e+00, v20;
	v15 =	vmul.f32 $4.725898060e-02, v15;
	v33 =	vpop (erf)  }
0x7d: {  	v34 =	vadd.f32 $-1.000000000e+00, v25;
	vm0 =	vlt.f32 v26, $1.000000000e+00;
	vm6 =	vlt.f32 v20, $1.000000000e+00;
	v32 =	vpop (erf)  }
0x7e: {  	v31 =	vnsel vm0, $0xBF800000, v31;
	v27 =	vnsel vm6, $0xBF800000, v27;
	v35 =	vadd.f32 $-1.000000000e+00, v15;
	v36 =	vpop (erf)  }
0x7f: {  	(erf) = vrcp.f32 v27;
	vm2 =	vlt.f32 v15, $1.000000000e+00;
	v22 =	vmul.f32 v36, v22  }
0x80: {  	vm4 =	vlt.f32 v25, $1.000000000e+00;
	(erf) = vrcp.f32 v31;
	v27 =	vnsel vm2, $0xBF800000, v35  }
0x81: {  	v31 =	vnsel vm4, $0xBF800000, v34;
	(erf) = vrcp.f32 v27;
	v22 =	vmul.f32 $1.442695020e+00, v22  }
0x82: {  	v18 =	vmul.f32 v18, v18;
	(erf) = vrcp.f32 v31  }
0x83: {  	v27 =	vadd.f32 $-1.000000000e+00, v28;
	(erf) = vpow2.f32 v22  }
0x84: {  	v14 =	vld.idx.msk [tilespmem:v14+s21+$0x0], $0xffff;
	v18 =	vmul.f32 $4.725898060e-02, v18;
	vm8 =	vlt.f32 v28, $1.000000000e+00  }
0x85: {  	v22 =	vnsel vm8, $0xBF800000, v27  }
0x86: {  	(erf) = vrcp.f32 v22;
	v22 =	vadd.f32 $-1.000000000e+00, v18  }
0x87: {  	vm7 =	vlt.f32 v18, $1.000000000e+00;
	(erf) = vrcp.f32 v23  }
0x88: {  	s0 =	sadd.s32 $0x0, s1;
	v23 =	vpop (erf);
	v22 =	vnsel vm7, $0xBF800000, v22;
	(erf) = vrcp.f32 v24  }
0x89: {  	s6 =	sadd.s32 $0xB, s0;
	v27 =	vpop (erf);
	(erf) = vrcp.f32 v22  }
0x8a: {  	s17 =	sadd.s32 $0x9, s0;
	s5 =	sadd.s32 $0xE, s0;
	v21 =	vmul.f32 v32, v21;
	v24 =	vor.u32 s6, v6;
	v38 =	vpop (erf)  }
0x8b: {  	v39 =	vor.u32 s17, v6;
	vm5 =	vmmov vm5;
	v34 =	vor.u32 s5, v6;
	s5 =	sadd.s32 $0xD, s0;
	v22 =	vpop (erf)  }
0x8c: {  	v14 =	vld.idx.msk [tilespmem:v14+s4+$0x0], $0xffff;
	vm12 =	vmmov vm8;
	v41 =	vor.u32 s5, v6;
	v21 =	vmul.f32 $1.442695020e+00, v21;
	s6 =	sadd.s32 $0xA, s0;
	v60 =	vpop (erf)  }
0x8d: {  	v40 =	vld.idx.msk [tilespmem:v9+s21+$0x0], $0xffff;
	s7 =	sadd.s32 $0x8, s0;
	v42 =	vor.u32 s6, v6;
	v26 =	vmul.f32 v27, v26;
	v32 =	vsub.f32 $1.000000000e+00, v60  }
0x8e: {  	v63 =	vld.idx.msk [tilespmem:v11+s21+$0x0], $0xffff;
	(erf) = vpow2.f32 v21;
	v21 =	vmul.f32 v23, v20;
	v20 =	vor.u32 s7, v6;
	s7 =	sadd.s32 $0xC, s0;
	s0 =	sadd.s32 $0xF, s0  }
0x8f: {  	v26 =	vmul.f32 $1.442695020e+00, v26;
	v38 =	vmul.f32 v38, v15;
	v44 =	vld.idx.msk [tilespmem:v24+s20+$0x0], $0xffff;
	v23 =	vpop (erf);
	v37 =	vor.u32 s0, v6  }
0x90: {  	v25 =	vmul.f32 v22, v25;
	v23 =	vmul.f32 v23, v28;
	v35 =	vpop (erf);
	v28 =	vld.idx.msk [tilespmem:v39+s20+$0x0], $0xffff;
	v9 =	vnsel vm3, $0x3F800000, v32  }
0x91: {  	vm0 =	vmmov vm0;
	v9 =	vmul.f32 v9, v14;
	v14 =	vmul.f32 $1.442695020e+00, v21;
	v21 =	vld.idx.msk [tilespmem:v34+s20+$0x0], $0xffff;
	v32 =	vpop (erf)  }
0x92: {  	vm2 =	vmmov vm2;
	v22 =	vld.idx.msk [tilespmem:v41+s20+$0x0], $0xffff;
	v38 =	vmul.f32 $1.442695020e+00, v38;
	v25 =	vmul.f32 $1.442695020e+00, v25;
	v27 =	vpop (erf)  }
0x93: {  	v31 =	vimm.f32 $0.0e+00;
	v23 =	vmul.f32 $1.442695020e+00, v23;
	v36 =	vld.idx.msk [tilespmem:v20+s20+$0x0], $0xffff;
	v18 =	vmul.f32 v27, v18  }
0x94: {  	v43 =	vor.u32 s7, v6;
	v9 =	vmul.f32 v9, v33;
	(erf) = vpow2.f32 v14;
	v11 =	vld.idx.msk [tilespmem:v37+s20+$0x0], $0xffff  }
0x95: {  	v61 =	vld.idx.msk [tilespmem:v42+s20+$0x0], $0xffff;
	vm3 =	vmmov vm7;
	v14 =	vmul.f32 v28, v28;
	v18 =	vmul.f32 $1.442695020e+00, v18  }
0x96: {  	vm7 =	vmmov vm6;
	v45 =	vmul.f32 v21, v21;
	(erf) = vrcp.f32 v21  }
0x97: {  	vm6 =	vmmov vm4;
	v21 =	vpop (erf);
	v46 =	vmul.f32 $4.725898060e-02, v14;
	(erf) = vpow2.f32 v18  }
0x98: {  	v14 =	vsub.f32 $1.000000000e+00, v21;
	v18 =	vmul.f32 v36, v36;
	(erf) = vrcp.f32 v44  }
0x99: {  	v40 =	vld.idx.msk [tilespmem:v40+s4+$0x0], $0xffff;
	vm11 =	vlt.f32 v46, $1.000000000e+00;
	v54 =	vmul.f32 v11, v11;
	(erf) = vrcp.f32 v22  }
0x9a: {  	v21 =	vadd.f32 $-1.000000000e+00, v46;
	(erf) = vrcp.f32 v28;
	v28 =	vmul.f32 v61, v61  }
0x9b: {  	v27 =	vmul.f32 $4.725898060e-02, v18;
	v18 =	vnsel vm5, $0x3F800000, v14;
	v14 =	vmul.f32 $4.725898060e-02, v45  }
0x9c: {  	v21 =	vnsel vm11, $0xBF800000, v21;
	(erf) = vrcp.f32 v61;
	v48 =	vmul.f32 $4.725898060e-02, v28  }
0x9d: {  	v13 =	vld.idx.msk [tilespmem:v13+s21+$0x0], $0xffff;
	v22 =	vmul.f32 v22, v22;
	vm11 =	vmmov vm11;
	(erf) = vrcp.f32 v21  }
0x9e: {  	v47 =	vld.idx.msk [tilespmem:v43+s20+$0x0], $0xffff;
	v55 =	vmul.f32 v18, v40;
	(erf) = vpow2.f32 v26;
	v26 =	vadd.f32 $-1.000000000e+00, v48  }
0x9f: {  	v62 =	vadd.f32 $-1.000000000e+00, v27;
	vm13 =	vlt.f32 v14, $1.000000000e+00;
	v56 =	vpop (erf);
	vm5 =	vlt.f32 v48, $1.000000000e+00  }
0xa0: {  	v52 =	vld.idx.msk [tilespmem:v10+s21+$0x0], $0xffff;
	v49 =	vadd.f32 $-1.000000000e+00, v14;
	v28 =	vmul.f32 v44, v44;
	v18 =	vpop (erf);
	v26 =	vnsel vm5, $0xBF800000, v26  }
0xa1: {  	vm10 =	vlt.f32 v27, $1.000000000e+00;
	v21 =	vmul.f32 $4.725898060e-02, v22;
	v51 =	vpop (erf);
	(erf) = vrcp.f32 v26  }
0xa2: {  	v17 =	vld.idx.msk [tilespmem:v17+s21+$0x0], $0xffff;
	v50 =	vmul.f32 v55, v19;
	v40 =	vsub.f32 $1.000000000e+00, v56;
	v33 =	vnsel vm13, $0xBF800000, v49  }
0xa3: {  	v10 =	vnsel vm10, $0xBF800000, v62;
	v22 =	vmul.f32 $4.725898060e-02, v28;
	v28 =	vmul.f32 v47, v47;
	v15 =	vpop (erf)  }
0xa4: {  	v44 =	vld.idx.msk [tilespmem:v63+s4+$0x0], $0xffff;
	vm4 =	vlt.f32 v21, $1.000000000e+00;
	v53 =	vadd.f32 $-1.000000000e+00, v21;
	(erf) = vpow2.f32 v23;
	v26 =	vpop (erf)  }
0xa5: {  	v49 =	vld.idx.msk [tilespmem:v8+s21+$0x0], $0xffff;
	v40 =	vnsel vm7, $0x3F800000, v40;
	v28 =	vmul.f32 $4.725898060e-02, v28;
	v57 =	vadd.f32 $-1.000000000e+00, v22;
	v8 =	vpop (erf)  }
0xa6: {  	v13 =	vld.idx.msk [tilespmem:v13+s4+$0x0], $0xffff;
	v53 =	vnsel vm4, $0xBF800000, v53;
	vm9 =	vlt.f32 v22, $1.000000000e+00;
	(erf) = vrcp.f32 v16;
	v23 =	vpop (erf)  }
0xa7: {  	v19 =	vld.idx.msk [tilespmem:v12+s21+$0x0], $0xffff;
	v62 =	vsub.f32 $1.000000000e+00, v51;
	v12 =	vadd.f32 $-1.000000000e+00, v28;
	(erf) = vpow2.f32 v25;
	v55 =	vpop (erf)  }
0xa8: {  	v63 =	vld.idx.msk [tilespmem:v52+s4+$0x0], $0xffff;
	vm8 =	vlt.f32 v28, $1.000000000e+00;
	v16 =	vmul.f32 $4.725898060e-02, v54;
	(erf) = vrcp.f32 v10;
	v58 =	vpop (erf)  }
0xa9: {  	v54 =	vld.idx.msk [tilespmem:v39+s21+$0x0], $0xffff;
	v39 =	vmul.f32 v55, v46;
	v55 =	vnsel vm8, $0xBF800000, v12;
	v12 =	vsub.f32 $1.000000000e+00, v58  }
0xaa: {  	v56 =	vld.idx.msk [tilespmem:v17+s4+$0x0], $0xffff;
	v40 =	vmul.f32 v40, v44;
	v59 =	vadd.f32 $-1.000000000e+00, v16;
	(erf) = vrcp.f32 v53;
	v61 =	vpop (erf)  }
0xab: {  	v17 =	vnsel vm9, $0xBF800000, v57;
	v25 =	vld.idx.msk [tilespmem:v42+s21+$0x0], $0xffff;
	vm7 =	vlt.f32 v16, $1.000000000e+00;
	v42 =	vmul.f32 v61, v48  }
0xac: {  	v20 =	vld.idx.msk [tilespmem:v20+s21+$0x0], $0xffff;
	v35 =	vmul.f32 v40, v35;
	v60 =	vnsel vm7, $0xBF800000, v59;
	v53 =	vnsel vm0, $0x3F800000, v12  }
0xad: {  	v10 =	vld.idx.msk [tilespmem:v41+s21+$0x0], $0xffff;
	v12 =	vpop (erf);
	(erf) = vrcp.f32 v60;
	v60 =	vnsel vm3, $0x3F800000, v62;
	v42 =	vmul.f32 $1.442695020e+00, v42  }
0xae: {  	v57 =	vsub.f32 $1.000000000e+00, v12;
	(erf) = vpow2.f32 v38;
	v12 =	vld.idx.msk [tilespmem:v34+s21+$0x0], $0xffff;
	v61 =	vmul.f32 v60, v63  }
0xaf: {  	v59 =	vmul.f32 v53, v13;
	vm3 =	vmmov vm13;
	(erf) = vrcp.f32 v17;
	v17 =	vld.idx.msk [tilespmem:v24+s21+$0x0], $0xffff  }
0xb0: {  	v34 =	vpop (erf);
	v24 =	vld.idx.msk [tilespmem:v37+s21+$0x0], $0xffff;
	v58 =	vnsel vm12, $0x3F800000, v57;
	(erf) = vpow2.f32 v42;
	v37 =	vmul.f32 v61, v29  }
0xb1: {  	v63 =	vadd.f32 v35, v31;
	v35 =	vld.idx.msk [tilespmem:v49+s4+$0x0], $0xffff;
	v62 =	vpop (erf);
	(erf) = vrcp.f32 v55;
	v38 =	vmul.f32 v58, v56  }
0xb2: {  	v13 =	vld.idx.msk [tilespmem:v43+s21+$0x0], $0xffff;
	v43 =	vpop (erf);
	v42 =	vsub.f32 $1.000000000e+00, v62;
	(erf) = vrcp.f32 v36;
	v36 =	vmul.f32 v59, v30  }
0xb3: {  	s17 =	simm.s32 $0x8;
	v31 =	vld.idx.msk [tilespmem:v54+s4+$0x0], $0xffff;
	v41 =	vadd.f32 v50, v63;
	v40 =	vpop (erf);
	(erf) = vrcp.f32 v47;
	v38 =	vmul.f32 v38, v32  }
.LBB2_3:
0xb4: {  	v27 =	vmul.f32 v43, v27  }
0xb5: {  	s0 =	sadd.s32 s17, s1;
	s17 =	sadd.s32 $0x8, s17;
	v32 =	vmul.f32 $1.442695020e+00, v39;
	v39 =	vnsel vm6, $0x3F800000, v42;
	v29 =	vmovc v18;
	v30 =	vmovc v26;
	vm12 =	vmmov vm10  }
0xb6: {  	s2 =	sadd.s32 $0x8, s0;
	s5 =	sadd.s32 $0x9, s0;
	s6 =	sadd.s32 $0xB, s0;
	(erf) = vrcp.f32 v33;
	v33 =	vpop (erf);
	v9 =	vadd.f32 v9, v41;
	v18 =	vmul.f32 v39, v35;
	v19 =	vld.idx.msk [tilespmem:v19+s4+$0x0], $0xffff  }
0xb7: {  	s7 =	sadd.s32 $0xE, s0;
	v26 =	vor.u32 s2, v6;
	v39 =	vor.u32 s5, v6;
	s2 =	sadd.s32 $0xA, s0;
	s5 =	sadd.s32 $0xC, s0;
	v27 =	vmul.f32 $1.442695020e+00, v27;
	v25 =	vld.idx.msk [tilespmem:v25+s4+$0x0], $0xffff;
	v35 =	vpop (erf)  }
0xb8: {  	p2 =	slt.u32 s17, $0x18;
	v41 =	vor.u32 s6, v6;
	s6 =	sadd.s32 $0xD, s0;
	v42 =	vor.u32 s7, v6;
	v43 =	vpop (erf);
	v7 =	vmul.f32 v18, v7  }
0xb9: {  	v18 =	vor.u32 s2, v6;
	v44 =	vor.u32 s5, v6;
	v46 =	vsub.f32 $1.000000000e+00, v35;
	v45 =	vpop (erf)  }
0xba: {  	s0 =	sadd.s32 $0xF, s0;
	v45 =	vsub.f32 $1.000000000e+00, v45;
	(erf) = vpow2.f32 v32;
	v32 =	vpop (erf);
	v50 =	vadd.f32 v7, v9  }
0xbb: {  	v47 =	vor.u32 s6, v6;
	v48 =	vor.u32 s0, v6;
	v9 =	vnsel vm2, $0x3F800000, v46;
	v35 =	vpop (erf)  }
0xbc: {  	v28 =	vmul.f32 v32, v28;
	v46 =	vld.idx.msk [tilespmem:v39+s20+$0x0], $0xffff;
	v45 =	vnsel vm5, $0x3F800000, v45;
	v32 =	vpop (erf);
	v38 =	vadd.f32 v38, v50  }
0xbd: {  	v7 =	vmovc v15;
	v49 =	vld.idx.msk [tilespmem:v42+s20+$0x0], $0xffff;
	v25 =	vmul.f32 v45, v25;
	v45 =	vmul.f32 v9, v19;
	v19 =	vmov v24  }
0xbe: {  	v21 =	vmul.f32 v40, v21;
	v50 =	vmul.f32 $1.442695020e+00, v28;
	v15 =	vld.idx.msk [tilespmem:v41+s20+$0x0], $0xffff;
	v24 =	vadd.f32 v36, v38  }
0xbf: {  	vm14 =	vmmov vm4;
	v43 =	vmul.f32 v43, v22;
	v36 =	vld.idx.msk [tilespmem:v26+s20+$0x0], $0xffff;
	v9 =	vmul.f32 v25, v23;
	v22 =	vpop (erf)  }
0xc0: {  	v23 =	vld.idx.msk [tilespmem:v47+s20+$0x0], $0xffff;
	v14 =	vmul.f32 v22, v14;
	v40 =	vadd.f32 v37, v24;
	v24 =	vmul.f32 v45, v34  }
0xc1: {  	vm13 =	vmmov vm8;
	v21 =	vmul.f32 $1.442695020e+00, v21;
	v37 =	vld.idx.msk [tilespmem:v39+s21+$0x0], $0xffff;
	(erf) = vpow2.f32 v27  }
0xc2: {  	v27 =	vmul.f32 v46, v46;
	v28 =	vld.idx.msk [tilespmem:v18+s20+$0x0], $0xffff;
	v14 =	vmul.f32 $1.442695020e+00, v14;
	v38 =	vadd.f32 v24, v40  }
0xc3: {  	vm6 =	vmmov vm9;
	v25 =	vld.idx.msk [tilespmem:v18+s21+$0x0], $0xffff;
	v18 =	vmul.f32 v49, v49;
	(erf) = vrcp.f32 v49;
	v22 =	vpop (erf)  }
0xc4: {  	v34 =	vmul.f32 $4.725898060e-02, v27;
	v45 =	vld.idx.msk [tilespmem:v47+s21+$0x0], $0xffff;
	v22 =	vsub.f32 $1.000000000e+00, v22;
	(erf) = vpow2.f32 v14  }
0xc5: {  	vm2 =	vmmov vm7;
	v14 =	vmul.f32 v36, v36;
	v47 =	vld.idx.msk [tilespmem:v26+s21+$0x0], $0xffff;
	(erf) = vrcp.f32 v15  }
0xc6: {  	vm15 =	vlt.f32 v34, $1.000000000e+00;
	v24 =	vadd.f32 $-1.000000000e+00, v34;
	v42 =	vld.idx.msk [tilespmem:v42+s21+$0x0], $0xffff;
	(erf) = vrcp.f32 v23  }
0xc7: {  	v27 =	vmul.f32 $4.725898060e-02, v14;
	v22 =	vnsel vm11, $0x3F800000, v22;
	v40 =	vld.idx.msk [tilespmem:v44+s20+$0x0], $0xffff;
	(erf) = vrcp.f32 v46  }
0xc8: {  	v14 =	vmul.f32 $4.725898060e-02, v18;
	v26 =	vnsel vm15, $0xBF800000, v24;
	v24 =	vmul.f32 v28, v28;
	v44 =	vld.idx.msk [tilespmem:v44+s21+$0x0], $0xffff  }
0xc9: {  	v49 =	vmul.f32 v23, v23;
	v39 =	vadd.f32 $-1.000000000e+00, v27;
	v41 =	vld.idx.msk [tilespmem:v41+s21+$0x0], $0xffff;
	(erf) = vrcp.f32 v28  }
0xca: {  	vm0 =	vlt.f32 v14, $1.000000000e+00;
	v46 =	vmul.f32 $4.725898060e-02, v24;
	v24 =	vld.idx.msk [tilespmem:v48+s21+$0x0], $0xffff;
	(erf) = vrcp.f32 v26;
	v23 =	vpop (erf)  }
0xcb: {  	v52 =	vmul.f32 v15, v15;
	vm10 =	vlt.f32 v27, $1.000000000e+00;
	(erf) = vpow2.f32 v21  }
0xcc: {  	v28 =	vmul.f32 v22, v31;
	v54 =	vadd.f32 $-1.000000000e+00, v46;
	v21 =	vmul.f32 $4.725898060e-02, v49;
	v48 =	vld.idx.msk [tilespmem:v48+s20+$0x0], $0xffff;
	v18 =	vpop (erf)  }
0xcd: {  	v22 =	vmul.f32 $4.725898060e-02, v52;
	vm5 =	vlt.f32 v46, $1.000000000e+00;
	v31 =	vmul.f32 v40, v40;
	v49 =	vpop (erf)  }
0xce: {  	v51 =	vadd.f32 $-1.000000000e+00, v14;
	v52 =	vmul.f32 v28, v8;
	v53 =	vnsel vm5, $0xBF800000, v54;
	v15 =	vpop (erf)  }
0xcf: {  	vm4 =	vlt.f32 v21, $1.000000000e+00;
	(erf) = vrcp.f32 v53;
	v26 =	vpop (erf);
	v53 =	vmul.f32 v33, v16  }
0xd0: {  	v28 =	vmul.f32 $4.725898060e-02, v31;
	v33 =	vnsel vm0, $0xBF800000, v51;
	v8 =	vpop (erf);
	(erf) = vpow2.f32 v50  }
0xd1: {  	v31 =	vnsel vm10, $0xBF800000, v39;
	v16 =	vsub.f32 $1.000000000e+00, v23;
	v50 =	vadd.f32 $-1.000000000e+00, v22  }
0xd2: {  	v43 =	vmul.f32 $1.442695020e+00, v43;
	v39 =	vadd.f32 $-1.000000000e+00, v21;
	v51 =	vmul.f32 v48, v48;
	v23 =	vpop (erf)  }
0xd3: {  	v54 =	vadd.f32 $-1.000000000e+00, v28;
	v57 =	vnsel vm12, $0x3F800000, v16;
	v55 =	vpop (erf);
	v56 =	vld.idx.msk [tilespmem:v20+s4+$0x0], $0xffff;
	(erf) = vrcp.f32 v11  }
0xd4: {  	v58 =	vnsel vm4, $0xBF800000, v39;
	v16 =	vmul.f32 $4.725898060e-02, v51;
	v51 =	vmul.f32 $1.442695020e+00, v53;
	v53 =	vpop (erf)  }
0xd5: {  	vm8 =	vlt.f32 v28, $1.000000000e+00;
	v20 =	vmovc v47;
	v11 =	vmovc v48;
	v39 =	vmul.f32 v55, v34;
	(erf) = vpow2.f32 v43  }
0xd6: {  	vm9 =	vlt.f32 v22, $1.000000000e+00;
	vm7 =	vlt.f32 v16, $1.000000000e+00;
	v34 =	vadd.f32 $-1.000000000e+00, v16;
	v43 =	vld.idx.msk [tilespmem:v10+s4+$0x0], $0xffff;
	v10 =	vmovc v45  }
0xd7: {  	v45 =	vnsel vm8, $0xBF800000, v54;
	(erf) = vrcp.f32 v31;
	v31 =	vsub.f32 $1.000000000e+00, v53  }
0xd8: {  	v49 =	vsub.f32 $1.000000000e+00, v49;
	v34 =	vnsel vm7, $0xBF800000, v34;
	v47 =	vpop (erf);
	(erf) = vrcp.f32 v58;
	v48 =	vld.idx.msk [tilespmem:v12+s4+$0x0], $0xffff  }
0xd9: {  	v46 =	vmul.f32 v47, v46;
	v47 =	vmul.f32 v57, v56;
	v53 =	vld.idx.msk [tilespmem:v13+s4+$0x0], $0xffff;
	v31 =	vnsel vm14, $0x3F800000, v31;
	v12 =	vpop (erf)  }
0xda: {  	v50 =	vnsel vm9, $0xBF800000, v50;
	v13 =	vmovc v44;
	(erf) = vrcp.f32 v34;
	v54 =	vsub.f32 $1.000000000e+00, v12;
	v12 =	vmovc v42  }
0xdb: {  	vm11 =	vmmov vm15;
	v42 =	vmul.f32 $1.442695020e+00, v46;
	(erf) = vpow2.f32 v51  }
0xdc: {  	v46 =	vmul.f32 v31, v43;
	(erf) = vrcp.f32 v50;
	v44 =	vnsel vm13, $0x3F800000, v54;
	v34 =	vpop (erf)  }
.Ltmp3:
0xdd: {  	v43 =	vnsel vm3, $0x3F800000, v49;
	(erf) = vpow2.f32 v42;
	v42 =	vmul.f32 v47, v35;
	v35 =	vld.idx.msk [tilespmem:v17+s4+$0x0], $0xffff;
	v17 =	vmovc v41;
	(pc) =	sbr.rel @p2 .LBB2_3-.Ltmp3, $4  }
0xde: {  	vm3 =	vmmov vm0;
	v31 =	vld.idx.msk [tilespmem:v37+s4+$0x0], $0xffff;
	(erf) = vrcp.f32 v45;
	v37 =	vmul.f32 v43, v48;
	v41 =	vpop (erf)  }
0xdf: {  	v44 =	vmul.f32 v44, v53;
	(erf) = vrcp.f32 v36;
	v38 =	vadd.f32 v42, v38  }
0xe0: {  	v42 =	vsub.f32 $1.000000000e+00, v41;
	v36 =	vmul.f32 v46, v30;
	v43 =	vpop (erf);
	(erf) = vrcp.f32 v40  }
0xe1: {  	v37 =	vmul.f32 v37, v29;
	v40 =	vpop (erf);
	v41 =	vadd.f32 v52, v38;
	v38 =	vmul.f32 v44, v32  }
0xe2: {  	(erf) = vrcp.f32 v33;
	_ =	sdelay $0x1  }
0xe3: {  	v29 =	vpop (erf)  }
0xe4: {  	v30 =	vpop (erf)  }
0xe5: {  	v32 =	vpop (erf)  }
0xe6: {  	v59 =	vpop (erf)  }
0xe7: {  	v44 =	vpop (erf)  }
0xe8: {  	v27 =	vmul.f32 v43, v27;
	v45 =	vpop (erf)  }
0xe9: {  	v39 =	vmul.f32 $1.442695020e+00, v39;
	v60 =	vpop (erf)  }
0xea: {  	v27 =	vmul.f32 $1.442695020e+00, v27;
	v61 =	vpop (erf)  }
0xeb: {  	(erf) = vpow2.f32 v39;
	v14 =	vmul.f32 v61, v14  }
0xec: {  	v21 =	vmul.f32 v40, v21;
	(erf) = vpow2.f32 v27  }
0xed: {  	v28 =	vmul.f32 v44, v28;
	v14 =	vmul.f32 $1.442695020e+00, v14  }
0xee: {  	v21 =	vmul.f32 $1.442695020e+00, v21;
	v22 =	vmul.f32 v32, v22  }
0xef: {  	v62 =	vnsel vm6, $0x3F800000, v42;
	v28 =	vmul.f32 $1.442695020e+00, v28;
	(erf) = vpow2.f32 v14  }
0xf0: {  	v63 =	vmul.f32 v62, v35;
	(erf) = vpow2.f32 v21  }
0xf1: {  	v27 =	vmul.f32 $1.442695020e+00, v22;
	(erf) = vpow2.f32 v28  }
0xf2: {  	v9 =	vadd.f32 v9, v41;
	v7 =	vmul.f32 v63, v7;
	(erf) = vrcp.f32 v11  }
0xf3: {  	v28 =	vld.idx.msk [tilespmem:v19+s4+$0x0], $0xffff;
	(erf) = vpow2.f32 v27  }
0xf4: {  	v7 =	vadd.f32 v7, v9  }
0xf5: {  	v35 =	vld.idx.msk [tilespmem:v20+s4+$0x0], $0xffff;
	v30 =	vsub.f32 $1.000000000e+00, v30;
	v32 =	vpop (erf)  }
0xf6: {  	vm0 =	vmmov vm10;
	v40 =	vld.idx.msk [tilespmem:v25+s4+$0x0], $0xffff;
	v16 =	vmul.f32 v29, v16;
	v7 =	vadd.f32 v38, v7;
	v39 =	vpop (erf)  }
0xf7: {  	v9 =	vnsel vm2, $0x3F800000, v30;
	v41 =	vsub.f32 $1.000000000e+00, v59;
	v20 =	vsub.f32 $1.000000000e+00, v39  }
0xf8: {  	v16 =	vmul.f32 $1.442695020e+00, v16;
	v7 =	vadd.f32 v36, v7;
	v9 =	vmul.f32 v9, v28;
	v42 =	vpop (erf)  }
0xf9: {  	v22 =	vnsel vm5, $0x3F800000, v41;
	v14 =	vsub.f32 $1.000000000e+00, v32;
	v20 =	vnsel vm0, $0x3F800000, v20;
	v44 =	vpop (erf)  }
0xfa: {  	v7 =	vadd.f32 v37, v7;
	v19 =	vmul.f32 v20, v35;
	v9 =	vmul.f32 v9, v34;
	v46 =	vpop (erf)  }
0xfb: {  	v17 =	vld.idx.msk [tilespmem:v17+s4+$0x0], $0xffff;
	v21 =	vmul.f32 v22, v40;
	v14 =	vnsel vm11, $0x3F800000, v14;
	(erf) = vpow2.f32 v16;
	v47 =	vpop (erf)  }
0xfc: {  	v48 =	vmul.f32 v14, v31;
	v49 =	vmul.f32 v19, v45;
	v7 =	vadd.f32 v9, v7;
	v50 =	vpop (erf)  }
0xfd: {  	v13 =	vld.idx.msk [tilespmem:v13+s4+$0x0], $0xffff;
	vm2 =	vmmov vm4;
	vm0 =	vmmov vm9;
	v19 =	vsub.f32 $1.000000000e+00, v50  }
0xfe: {  	v10 =	vld.idx.msk [tilespmem:v10+s4+$0x0], $0xffff;
	v51 =	vmul.f32 v21, v23;
	v8 =	vmul.f32 v48, v8;
	v7 =	vadd.f32 v49, v7  }
0xff: {  	v53 =	vsub.f32 $1.000000000e+00, v44;
	v52 =	vsub.f32 $1.000000000e+00, v46;
	v19 =	vnsel vm0, $0x3F800000, v19  }
0x100: {  	v7 =	vadd.f32 v8, v7;
	vm0 =	vmmov vm8;
	v8 =	vmul.f32 v19, v17  }
0x101: {  	v12 =	vld.idx.msk [tilespmem:v12+s4+$0x0], $0xffff;
	v55 =	vnsel vm2, $0x3F800000, v53;
	v14 =	vnsel vm0, $0x3F800000, v52  }
0x102: {  	v7 =	vadd.f32 v51, v7;
	v13 =	vmul.f32 v14, v13;
	v8 =	vmul.f32 v8, v15  }
0x103: {  	v56 =	vld.idx.msk [tilespmem:v24+s4+$0x0], $0xffff;
	v54 =	vsub.f32 $1.000000000e+00, v42;
	v10 =	vmul.f32 v55, v10  }
0x104: {  	v58 =	vpop (erf);
	v57 =	vmul.f32 v13, v60;
	v7 =	vadd.f32 v8, v7  }
0x105: {  	v59 =	vsub.f32 $1.000000000e+00, v58;
	v10 =	vmul.f32 v10, v26;
	v8 =	vnsel vm3, $0x3F800000, v54  }
0x106: {  	vm0 =	vmmov vm7;
	v8 =	vmul.f32 v8, v12;
	v7 =	vadd.f32 v57, v7  }
0x107: {  	v9 =	vnsel vm0, $0x3F800000, v59  }
0x108: {  	s0 =	sshll.u32 s3, $0x4;
	v9 =	vmul.f32 v9, v56;
	v8 =	vmul.f32 v8, v18;
	v7 =	vadd.f32 v10, v7  }
0x109: {  	v60 =	vld.idx.msk [tilespmem:v0+s0+$0x0 ss:$0x1], $0xffff  }
0x10a: {  	v7 =	vadd.f32 v8, v7;
	v8 =	vmul.f32 v9, v47  }
0x10b: {  	s2 =	sor.u32 $0x1, s0  }
0x10c: {  	v61 =	vadd.s32 s2, v5;
	v7 =	vadd.f32 v8, v7  }
0x10d: {  	v8 =	vmin.u32 v61, $0x18F  }
0x10e: {  	v7 =	vmul.f32 v60, v7;
	_ =	sdelay $0x1  }
0x10f: {  	v7 =	vmul.f32 $7.199822900e+00, v7  }
0x110: {  	v62 =	vld [tilespmem:s0+$0x18B80]  }
0x111: {  	(xrf2) =	vadd.scan.msk.f32 $0xffff, v7;
	v7 =	vld.idx.msk [tilespmem:v8+s22+$0x0], $0xffff;
	_ =	sdelay $0x4  }
0x112: {  	vm2 =	vcmask $0x3F3C;
	vm0 =	vne.s32 v62, v7  }
0x113: {  	vm2 =	vmor vm0, vm2  }
0x114: {  	s3 =	sadd.s32 $0x1, s3;
	vm0 =	vmand vm0, vm1  }
0x115: {  	p2 =	sne.s32 s3, $0x19  }
.Ltmp4:
0x116: {  	_ = 	snop;
	(pc) =	sbr.rel @p2 .LBB2_2-.Ltmp4, $4  }
0x117: {  	v8, _, _ =	vpop (xrf2)  }
0x118: {  	v63 =	vsub.f32 $0.0e+00, v8  }
0x119: {  	[tilespmem:v62+s29+$0x0] =	vst.idx.add.f32.msk vm2, v8  }
0x11a: {  	s1 =	sadd.s32 $0x200, s1;
	[tilespmem:v7+s29+$0x0] =	vst.idx.add.f32.msk vm0, v63  }
0x11b: {  	s1 =	simm.s32 $0x0  }
0x11c: {  	[tilespmem:s20], [sflag:$0x2] =	stream.linear.gather [hbm4b:s11+s1], $0x3200, $0x38;
	[tilespmem:$0x1BFB8] =	vst v63  }
0x11d: {  	_ = 	snop  }
0x11e: {  	[tilespmem:s21], [sflag:$0x2] =	stream.linear.gather [hbm4b:s14+s1], $0x3200, $0x38;
	[tilespmem:$0x1BFB8] =	vst v63  }
0x11f: {  	_ = 	snop  }
0x120: {  	[tilespmem:s22], [sflag:$0x2] =	stream.linear.gather [hbm4b:s12+s1], $0x190, $0x38;
	[tilespmem:$0x1BFB8] =	vst v63  }
0x121: {  	_ =	swait.ge [sflag:s30], $0x3200  }
0x122: {  	[sflag:s30] =	ssyncset.done $0x0  }
0x123: {  	[sflag:s30] =	ssyncadd.s32 $0xFFFFCE00  }
0x124: {  	_ =	swait.ge [sflag:s30], $0x3200  }
0x125: {  	[sflag:s30] =	ssyncset.done $0x0  }
0x126: {  	[sflag:s30] =	ssyncadd.s32 $0xFFFFCE00  }
0x127: {  	_ =	swait.ge [sflag:s30], $0x190  }
0x128: {  	[sflag:s30] =	ssyncset.done $0x0  }
0x129: {  	s3 =	simm.s32 $0x0;
	[sflag:s30] =	ssyncadd.s32 $0xFFFFFE70  }
.LBB2_6:
0x12a: {  	s0 =	sadd.s32 $0xFFFFFFF8, s1  }
0x12b: {  	s2 =	sadd.s32 $0x9, s0  }
0x12c: {  	s7 =	sadd.s32 $0xA, s0;
	v9 =	vor.u32 s2, v6  }
0x12d: {  	s5 =	sadd.s32 $0xE, s0;
	v14 =	vor.u32 s7, v6  }
0x12e: {  	s17 =	sadd.s32 $0xB, s0;
	v10 =	vor.u32 s5, v6  }
0x12f: {  	s6 =	sadd.s32 $0xD, s0;
	v8 =	vor.u32 s17, v6  }
0x130: {  	v13 =	vor.u32 s6, v6  }
0x131: {  	v7 =	vld.idx.msk [tilespmem:v9+s23+$0x0], $0xffff  }
0x132: {  	v15 =	vld.idx.msk [tilespmem:v14+s23+$0x0], $0xffff  }
0x133: {  	s7 =	sadd.s32 $0x8, s0;
	v18 =	vld.idx.msk [tilespmem:v10+s23+$0x0], $0xffff  }
0x134: {  	v11 =	vor.u32 s7, v6;
	v19 =	vld.idx.msk [tilespmem:v8+s23+$0x0], $0xffff  }
0x135: {  	v20 =	vld.idx.msk [tilespmem:v13+s23+$0x0], $0xffff  }
0x136: {  	v12 =	vmul.f32 v7, v7  }
0x137: {  	s17 =	sadd.s32 $0xF, s0;
	s0 =	sadd.s32 $0xC, s0;
	v16 =	vmul.f32 v15, v15  }
0x138: {  	v17 =	vor.u32 s0, v6;
	(erf) = vrcp.f32 v18;
	v21 =	vmul.f32 $4.725898060e-02, v12  }
0x139: {  	v23 =	vld.idx.msk [tilespmem:v11+s23+$0x0], $0xffff;
	(erf) = vrcp.f32 v19;
	v12 =	vor.u32 s17, v6;
	v22 =	vmul.f32 $4.725898060e-02, v16  }
0x13a: {  	(erf) = vrcp.f32 v20;
	v16 =	vadd.f32 $-1.000000000e+00, v21  }
0x13b: {  	(erf) = vrcp.f32 v7;
	vm5 =	vlt.f32 v21, $1.000000000e+00;
	v7 =	vadd.f32 $-1.000000000e+00, v22  }
0x13c: {  	(erf) = vrcp.f32 v15;
	vm3 =	vlt.f32 v22, $1.000000000e+00;
	v16 =	vnsel vm5, $0xBF800000, v16  }
0x13d: {  	v24 =	vld.idx.msk [tilespmem:v17+s23+$0x0], $0xffff;
	v7 =	vnsel vm3, $0xBF800000, v7;
	(erf) = vrcp.f32 v16  }
0x13e: {  	v16 =	vld.idx.msk [tilespmem:v12+s23+$0x0], $0xffff;
	(erf) = vrcp.f32 v7;
	v7 =	vmul.f32 v23, v23;
	_ =	sdelay $0x2  }
0x13f: {  	v25 =	vmul.f32 v19, v19;
	v15 =	vmul.f32 v20, v20;
	v29 =	vpop (erf)  }
0x140: {  	v28 =	vmul.f32 v24, v24;
	v20 =	vmul.f32 $4.725898060e-02, v7;
	v7 =	vpop (erf)  }
0x141: {  	v26 =	vmul.f32 $4.725898060e-02, v15;
	v15 =	vmul.f32 v16, v16;
	v30 =	vpop (erf)  }
0x142: {  	v25 =	vmul.f32 $4.725898060e-02, v25;
	v28 =	vmul.f32 $4.725898060e-02, v28;
	v19 =	vpop (erf)  }
0x143: {  	v31 =	vadd.f32 $-1.000000000e+00, v26;
	v27 =	vadd.f32 $-1.000000000e+00, v20;
	v15 =	vmul.f32 $4.725898060e-02, v15;
	v33 =	vpop (erf)  }
0x144: {  	v34 =	vadd.f32 $-1.000000000e+00, v25;
	vm0 =	vlt.f32 v26, $1.000000000e+00;
	vm6 =	vlt.f32 v20, $1.000000000e+00;
	v32 =	vpop (erf)  }
0x145: {  	v31 =	vnsel vm0, $0xBF800000, v31;
	v27 =	vnsel vm6, $0xBF800000, v27;
	v35 =	vadd.f32 $-1.000000000e+00, v15;
	v36 =	vpop (erf)  }
0x146: {  	(erf) = vrcp.f32 v27;
	vm2 =	vlt.f32 v15, $1.000000000e+00;
	v22 =	vmul.f32 v36, v22  }
0x147: {  	vm4 =	vlt.f32 v25, $1.000000000e+00;
	(erf) = vrcp.f32 v31;
	v27 =	vnsel vm2, $0xBF800000, v35  }
0x148: {  	v31 =	vnsel vm4, $0xBF800000, v34;
	(erf) = vrcp.f32 v27;
	v22 =	vmul.f32 $1.442695020e+00, v22  }
0x149: {  	v18 =	vmul.f32 v18, v18;
	(erf) = vrcp.f32 v31  }
0x14a: {  	v27 =	vadd.f32 $-1.000000000e+00, v28;
	(erf) = vpow2.f32 v22  }
0x14b: {  	v14 =	vld.idx.msk [tilespmem:v14+s24+$0x0], $0xffff;
	v18 =	vmul.f32 $4.725898060e-02, v18;
	vm8 =	vlt.f32 v28, $1.000000000e+00  }
0x14c: {  	v22 =	vnsel vm8, $0xBF800000, v27  }
0x14d: {  	(erf) = vrcp.f32 v22;
	v22 =	vadd.f32 $-1.000000000e+00, v18  }
0x14e: {  	vm7 =	vlt.f32 v18, $1.000000000e+00;
	(erf) = vrcp.f32 v23  }
0x14f: {  	s0 =	sadd.s32 $0x0, s1;
	v23 =	vpop (erf);
	v22 =	vnsel vm7, $0xBF800000, v22;
	(erf) = vrcp.f32 v24  }
0x150: {  	s7 =	sadd.s32 $0xB, s0;
	v27 =	vpop (erf);
	(erf) = vrcp.f32 v22  }
0x151: {  	s5 =	sadd.s32 $0x9, s0;
	s6 =	sadd.s32 $0xE, s0;
	v21 =	vmul.f32 v32, v21;
	v24 =	vor.u32 s7, v6;
	v38 =	vpop (erf)  }
0x152: {  	v39 =	vor.u32 s5, v6;
	vm5 =	vmmov vm5;
	v34 =	vor.u32 s6, v6;
	s6 =	sadd.s32 $0xD, s0;
	v22 =	vpop (erf)  }
0x153: {  	v14 =	vld.idx.msk [tilespmem:v14+s4+$0x0], $0xffff;
	vm12 =	vmmov vm8;
	v41 =	vor.u32 s6, v6;
	v21 =	vmul.f32 $1.442695020e+00, v21;
	s7 =	sadd.s32 $0xA, s0;
	v60 =	vpop (erf)  }
0x154: {  	v40 =	vld.idx.msk [tilespmem:v9+s24+$0x0], $0xffff;
	s17 =	sadd.s32 $0x8, s0;
	v42 =	vor.u32 s7, v6;
	v26 =	vmul.f32 v27, v26;
	v32 =	vsub.f32 $1.000000000e+00, v60  }
0x155: {  	v63 =	vld.idx.msk [tilespmem:v11+s24+$0x0], $0xffff;
	(erf) = vpow2.f32 v21;
	v21 =	vmul.f32 v23, v20;
	v20 =	vor.u32 s17, v6;
	s17 =	sadd.s32 $0xC, s0;
	s0 =	sadd.s32 $0xF, s0  }
0x156: {  	v26 =	vmul.f32 $1.442695020e+00, v26;
	v38 =	vmul.f32 v38, v15;
	v44 =	vld.idx.msk [tilespmem:v24+s23+$0x0], $0xffff;
	v23 =	vpop (erf);
	v37 =	vor.u32 s0, v6  }
0x157: {  	v25 =	vmul.f32 v22, v25;
	v23 =	vmul.f32 v23, v28;
	v35 =	vpop (erf);
	v28 =	vld.idx.msk [tilespmem:v39+s23+$0x0], $0xffff;
	v9 =	vnsel vm3, $0x3F800000, v32  }
0x158: {  	vm0 =	vmmov vm0;
	v9 =	vmul.f32 v9, v14;
	v14 =	vmul.f32 $1.442695020e+00, v21;
	v21 =	vld.idx.msk [tilespmem:v34+s23+$0x0], $0xffff;
	v32 =	vpop (erf)  }
0x159: {  	vm2 =	vmmov vm2;
	v22 =	vld.idx.msk [tilespmem:v41+s23+$0x0], $0xffff;
	v38 =	vmul.f32 $1.442695020e+00, v38;
	v25 =	vmul.f32 $1.442695020e+00, v25;
	v27 =	vpop (erf)  }
0x15a: {  	v31 =	vimm.f32 $0.0e+00;
	v23 =	vmul.f32 $1.442695020e+00, v23;
	v36 =	vld.idx.msk [tilespmem:v20+s23+$0x0], $0xffff;
	v18 =	vmul.f32 v27, v18  }
0x15b: {  	v43 =	vor.u32 s17, v6;
	v9 =	vmul.f32 v9, v33;
	(erf) = vpow2.f32 v14;
	v11 =	vld.idx.msk [tilespmem:v37+s23+$0x0], $0xffff  }
0x15c: {  	v61 =	vld.idx.msk [tilespmem:v42+s23+$0x0], $0xffff;
	vm3 =	vmmov vm7;
	v14 =	vmul.f32 v28, v28;
	v18 =	vmul.f32 $1.442695020e+00, v18  }
0x15d: {  	vm7 =	vmmov vm6;
	v45 =	vmul.f32 v21, v21;
	(erf) = vrcp.f32 v21  }
0x15e: {  	vm6 =	vmmov vm4;
	v21 =	vpop (erf);
	v46 =	vmul.f32 $4.725898060e-02, v14;
	(erf) = vpow2.f32 v18  }
0x15f: {  	v14 =	vsub.f32 $1.000000000e+00, v21;
	v18 =	vmul.f32 v36, v36;
	(erf) = vrcp.f32 v44  }
0x160: {  	v40 =	vld.idx.msk [tilespmem:v40+s4+$0x0], $0xffff;
	vm11 =	vlt.f32 v46, $1.000000000e+00;
	v54 =	vmul.f32 v11, v11;
	(erf) = vrcp.f32 v22  }
0x161: {  	v21 =	vadd.f32 $-1.000000000e+00, v46;
	(erf) = vrcp.f32 v28;
	v28 =	vmul.f32 v61, v61  }
0x162: {  	v27 =	vmul.f32 $4.725898060e-02, v18;
	v18 =	vnsel vm5, $0x3F800000, v14;
	v14 =	vmul.f32 $4.725898060e-02, v45  }
0x163: {  	v21 =	vnsel vm11, $0xBF800000, v21;
	(erf) = vrcp.f32 v61;
	v48 =	vmul.f32 $4.725898060e-02, v28  }
0x164: {  	v13 =	vld.idx.msk [tilespmem:v13+s24+$0x0], $0xffff;
	v22 =	vmul.f32 v22, v22;
	vm11 =	vmmov vm11;
	(erf) = vrcp.f32 v21  }
0x165: {  	v47 =	vld.idx.msk [tilespmem:v43+s23+$0x0], $0xffff;
	v55 =	vmul.f32 v18, v40;
	(erf) = vpow2.f32 v26;
	v26 =	vadd.f32 $-1.000000000e+00, v48  }
0x166: {  	v62 =	vadd.f32 $-1.000000000e+00, v27;
	vm13 =	vlt.f32 v14, $1.000000000e+00;
	v56 =	vpop (erf);
	vm5 =	vlt.f32 v48, $1.000000000e+00  }
0x167: {  	v52 =	vld.idx.msk [tilespmem:v10+s24+$0x0], $0xffff;
	v49 =	vadd.f32 $-1.000000000e+00, v14;
	v28 =	vmul.f32 v44, v44;
	v18 =	vpop (erf);
	v26 =	vnsel vm5, $0xBF800000, v26  }
0x168: {  	vm10 =	vlt.f32 v27, $1.000000000e+00;
	v21 =	vmul.f32 $4.725898060e-02, v22;
	v51 =	vpop (erf);
	(erf) = vrcp.f32 v26  }
0x169: {  	v17 =	vld.idx.msk [tilespmem:v17+s24+$0x0], $0xffff;
	v50 =	vmul.f32 v55, v19;
	v40 =	vsub.f32 $1.000000000e+00, v56;
	v33 =	vnsel vm13, $0xBF800000, v49  }
0x16a: {  	v10 =	vnsel vm10, $0xBF800000, v62;
	v22 =	vmul.f32 $4.725898060e-02, v28;
	v28 =	vmul.f32 v47, v47;
	v15 =	vpop (erf)  }
0x16b: {  	v44 =	vld.idx.msk [tilespmem:v63+s4+$0x0], $0xffff;
	vm4 =	vlt.f32 v21, $1.000000000e+00;
	v53 =	vadd.f32 $-1.000000000e+00, v21;
	(erf) = vpow2.f32 v23;
	v26 =	vpop (erf)  }
0x16c: {  	v49 =	vld.idx.msk [tilespmem:v8+s24+$0x0], $0xffff;
	v40 =	vnsel vm7, $0x3F800000, v40;
	v28 =	vmul.f32 $4.725898060e-02, v28;
	v57 =	vadd.f32 $-1.000000000e+00, v22;
	v8 =	vpop (erf)  }
0x16d: {  	v13 =	vld.idx.msk [tilespmem:v13+s4+$0x0], $0xffff;
	v53 =	vnsel vm4, $0xBF800000, v53;
	vm9 =	vlt.f32 v22, $1.000000000e+00;
	(erf) = vrcp.f32 v16;
	v23 =	vpop (erf)  }
0x16e: {  	v19 =	vld.idx.msk [tilespmem:v12+s24+$0x0], $0xffff;
	v62 =	vsub.f32 $1.000000000e+00, v51;
	v12 =	vadd.f32 $-1.000000000e+00, v28;
	(erf) = vpow2.f32 v25;
	v55 =	vpop (erf)  }
0x16f: {  	v63 =	vld.idx.msk [tilespmem:v52+s4+$0x0], $0xffff;
	vm8 =	vlt.f32 v28, $1.000000000e+00;
	v16 =	vmul.f32 $4.725898060e-02, v54;
	(erf) = vrcp.f32 v10;
	v58 =	vpop (erf)  }
0x170: {  	v54 =	vld.idx.msk [tilespmem:v39+s24+$0x0], $0xffff;
	v39 =	vmul.f32 v55, v46;
	v55 =	vnsel vm8, $0xBF800000, v12;
	v12 =	vsub.f32 $1.000000000e+00, v58  }
0x171: {  	v56 =	vld.idx.msk [tilespmem:v17+s4+$0x0], $0xffff;
	v40 =	vmul.f32 v40, v44;
	v59 =	vadd.f32 $-1.000000000e+00, v16;
	(erf) = vrcp.f32 v53;
	v61 =	vpop (erf)  }
0x172: {  	v17 =	vnsel vm9, $0xBF800000, v57;
	v25 =	vld.idx.msk [tilespmem:v42+s24+$0x0], $0xffff;
	vm7 =	vlt.f32 v16, $1.000000000e+00;
	v42 =	vmul.f32 v61, v48  }
0x173: {  	v20 =	vld.idx.msk [tilespmem:v20+s24+$0x0], $0xffff;
	v35 =	vmul.f32 v40, v35;
	v60 =	vnsel vm7, $0xBF800000, v59;
	v53 =	vnsel vm0, $0x3F800000, v12  }
0x174: {  	v10 =	vld.idx.msk [tilespmem:v41+s24+$0x0], $0xffff;
	v12 =	vpop (erf);
	(erf) = vrcp.f32 v60;
	v60 =	vnsel vm3, $0x3F800000, v62;
	v42 =	vmul.f32 $1.442695020e+00, v42  }
0x175: {  	v57 =	vsub.f32 $1.000000000e+00, v12;
	(erf) = vpow2.f32 v38;
	v12 =	vld.idx.msk [tilespmem:v34+s24+$0x0], $0xffff;
	v61 =	vmul.f32 v60, v63  }
0x176: {  	v59 =	vmul.f32 v53, v13;
	vm3 =	vmmov vm13;
	(erf) = vrcp.f32 v17;
	v17 =	vld.idx.msk [tilespmem:v24+s24+$0x0], $0xffff  }
0x177: {  	v34 =	vpop (erf);
	v24 =	vld.idx.msk [tilespmem:v37+s24+$0x0], $0xffff;
	v58 =	vnsel vm12, $0x3F800000, v57;
	(erf) = vpow2.f32 v42;
	v37 =	vmul.f32 v61, v29  }
0x178: {  	v63 =	vadd.f32 v35, v31;
	v35 =	vld.idx.msk [tilespmem:v49+s4+$0x0], $0xffff;
	v62 =	vpop (erf);
	(erf) = vrcp.f32 v55;
	v38 =	vmul.f32 v58, v56  }
0x179: {  	v13 =	vld.idx.msk [tilespmem:v43+s24+$0x0], $0xffff;
	v43 =	vpop (erf);
	v42 =	vsub.f32 $1.000000000e+00, v62;
	(erf) = vrcp.f32 v36;
	v36 =	vmul.f32 v59, v30  }
0x17a: {  	s17 =	simm.s32 $0x8;
	v31 =	vld.idx.msk [tilespmem:v54+s4+$0x0], $0xffff;
	v41 =	vadd.f32 v50, v63;
	v40 =	vpop (erf);
	(erf) = vrcp.f32 v47;
	v38 =	vmul.f32 v38, v32  }
.LBB2_7:
0x17b: {  	v27 =	vmul.f32 v43, v27  }
0x17c: {  	s0 =	sadd.s32 s17, s1;
	s17 =	sadd.s32 $0x8, s17;
	v32 =	vmul.f32 $1.442695020e+00, v39;
	v39 =	vnsel vm6, $0x3F800000, v42;
	v29 =	vmovc v18;
	v30 =	vmovc v26;
	vm12 =	vmmov vm10  }
0x17d: {  	s2 =	sadd.s32 $0x8, s0;
	s5 =	sadd.s32 $0x9, s0;
	s6 =	sadd.s32 $0xB, s0;
	(erf) = vrcp.f32 v33;
	v33 =	vpop (erf);
	v9 =	vadd.f32 v9, v41;
	v18 =	vmul.f32 v39, v35;
	v19 =	vld.idx.msk [tilespmem:v19+s4+$0x0], $0xffff  }
0x17e: {  	s7 =	sadd.s32 $0xE, s0;
	v26 =	vor.u32 s2, v6;
	v39 =	vor.u32 s5, v6;
	s2 =	sadd.s32 $0xA, s0;
	s5 =	sadd.s32 $0xC, s0;
	v27 =	vmul.f32 $1.442695020e+00, v27;
	v25 =	vld.idx.msk [tilespmem:v25+s4+$0x0], $0xffff;
	v35 =	vpop (erf)  }
0x17f: {  	p2 =	slt.u32 s17, $0x18;
	v41 =	vor.u32 s6, v6;
	s6 =	sadd.s32 $0xD, s0;
	v42 =	vor.u32 s7, v6;
	v43 =	vpop (erf);
	v7 =	vmul.f32 v18, v7  }
0x180: {  	v18 =	vor.u32 s2, v6;
	v44 =	vor.u32 s5, v6;
	v46 =	vsub.f32 $1.000000000e+00, v35;
	v45 =	vpop (erf)  }
0x181: {  	s0 =	sadd.s32 $0xF, s0;
	v45 =	vsub.f32 $1.000000000e+00, v45;
	(erf) = vpow2.f32 v32;
	v32 =	vpop (erf);
	v50 =	vadd.f32 v7, v9  }
0x182: {  	v47 =	vor.u32 s6, v6;
	v48 =	vor.u32 s0, v6;
	v9 =	vnsel vm2, $0x3F800000, v46;
	v35 =	vpop (erf)  }
0x183: {  	v28 =	vmul.f32 v32, v28;
	v46 =	vld.idx.msk [tilespmem:v39+s23+$0x0], $0xffff;
	v45 =	vnsel vm5, $0x3F800000, v45;
	v32 =	vpop (erf);
	v38 =	vadd.f32 v38, v50  }
0x184: {  	v7 =	vmovc v15;
	v49 =	vld.idx.msk [tilespmem:v42+s23+$0x0], $0xffff;
	v25 =	vmul.f32 v45, v25;
	v45 =	vmul.f32 v9, v19;
	v19 =	vmov v24  }
0x185: {  	v21 =	vmul.f32 v40, v21;
	v50 =	vmul.f32 $1.442695020e+00, v28;
	v15 =	vld.idx.msk [tilespmem:v41+s23+$0x0], $0xffff;
	v24 =	vadd.f32 v36, v38  }
0x186: {  	vm14 =	vmmov vm4;
	v43 =	vmul.f32 v43, v22;
	v36 =	vld.idx.msk [tilespmem:v26+s23+$0x0], $0xffff;
	v9 =	vmul.f32 v25, v23;
	v22 =	vpop (erf)  }
0x187: {  	v23 =	vld.idx.msk [tilespmem:v47+s23+$0x0], $0xffff;
	v14 =	vmul.f32 v22, v14;
	v40 =	vadd.f32 v37, v24;
	v24 =	vmul.f32 v45, v34  }
0x188: {  	vm13 =	vmmov vm8;
	v21 =	vmul.f32 $1.442695020e+00, v21;
	v37 =	vld.idx.msk [tilespmem:v39+s24+$0x0], $0xffff;
	(erf) = vpow2.f32 v27  }
0x189: {  	v27 =	vmul.f32 v46, v46;
	v28 =	vld.idx.msk [tilespmem:v18+s23+$0x0], $0xffff;
	v14 =	vmul.f32 $1.442695020e+00, v14;
	v38 =	vadd.f32 v24, v40  }
0x18a: {  	vm6 =	vmmov vm9;
	v25 =	vld.idx.msk [tilespmem:v18+s24+$0x0], $0xffff;
	v18 =	vmul.f32 v49, v49;
	(erf) = vrcp.f32 v49;
	v22 =	vpop (erf)  }
0x18b: {  	v34 =	vmul.f32 $4.725898060e-02, v27;
	v45 =	vld.idx.msk [tilespmem:v47+s24+$0x0], $0xffff;
	v22 =	vsub.f32 $1.000000000e+00, v22;
	(erf) = vpow2.f32 v14  }
0x18c: {  	vm2 =	vmmov vm7;
	v14 =	vmul.f32 v36, v36;
	v47 =	vld.idx.msk [tilespmem:v26+s24+$0x0], $0xffff;
	(erf) = vrcp.f32 v15  }
0x18d: {  	vm15 =	vlt.f32 v34, $1.000000000e+00;
	v24 =	vadd.f32 $-1.000000000e+00, v34;
	v42 =	vld.idx.msk [tilespmem:v42+s24+$0x0], $0xffff;
	(erf) = vrcp.f32 v23  }
0x18e: {  	v27 =	vmul.f32 $4.725898060e-02, v14;
	v22 =	vnsel vm11, $0x3F800000, v22;
	v40 =	vld.idx.msk [tilespmem:v44+s23+$0x0], $0xffff;
	(erf) = vrcp.f32 v46  }
0x18f: {  	v14 =	vmul.f32 $4.725898060e-02, v18;
	v26 =	vnsel vm15, $0xBF800000, v24;
	v24 =	vmul.f32 v28, v28;
	v44 =	vld.idx.msk [tilespmem:v44+s24+$0x0], $0xffff  }
0x190: {  	v49 =	vmul.f32 v23, v23;
	v39 =	vadd.f32 $-1.000000000e+00, v27;
	v41 =	vld.idx.msk [tilespmem:v41+s24+$0x0], $0xffff;
	(erf) = vrcp.f32 v28  }
0x191: {  	vm0 =	vlt.f32 v14, $1.000000000e+00;
	v46 =	vmul.f32 $4.725898060e-02, v24;
	v24 =	vld.idx.msk [tilespmem:v48+s24+$0x0], $0xffff;
	(erf) = vrcp.f32 v26;
	v23 =	vpop (erf)  }
0x192: {  	v52 =	vmul.f32 v15, v15;
	vm10 =	vlt.f32 v27, $1.000000000e+00;
	(erf) = vpow2.f32 v21  }
0x193: {  	v28 =	vmul.f32 v22, v31;
	v54 =	vadd.f32 $-1.000000000e+00, v46;
	v21 =	vmul.f32 $4.725898060e-02, v49;
	v48 =	vld.idx.msk [tilespmem:v48+s23+$0x0], $0xffff;
	v18 =	vpop (erf)  }
0x194: {  	v22 =	vmul.f32 $4.725898060e-02, v52;
	vm5 =	vlt.f32 v46, $1.000000000e+00;
	v31 =	vmul.f32 v40, v40;
	v49 =	vpop (erf)  }
0x195: {  	v51 =	vadd.f32 $-1.000000000e+00, v14;
	v52 =	vmul.f32 v28, v8;
	v53 =	vnsel vm5, $0xBF800000, v54;
	v15 =	vpop (erf)  }
0x196: {  	vm4 =	vlt.f32 v21, $1.000000000e+00;
	(erf) = vrcp.f32 v53;
	v26 =	vpop (erf);
	v53 =	vmul.f32 v33, v16  }
0x197: {  	v28 =	vmul.f32 $4.725898060e-02, v31;
	v33 =	vnsel vm0, $0xBF800000, v51;
	v8 =	vpop (erf);
	(erf) = vpow2.f32 v50  }
0x198: {  	v31 =	vnsel vm10, $0xBF800000, v39;
	v16 =	vsub.f32 $1.000000000e+00, v23;
	v50 =	vadd.f32 $-1.000000000e+00, v22  }
0x199: {  	v43 =	vmul.f32 $1.442695020e+00, v43;
	v39 =	vadd.f32 $-1.000000000e+00, v21;
	v51 =	vmul.f32 v48, v48;
	v23 =	vpop (erf)  }
0x19a: {  	v54 =	vadd.f32 $-1.000000000e+00, v28;
	v57 =	vnsel vm12, $0x3F800000, v16;
	v55 =	vpop (erf);
	v56 =	vld.idx.msk [tilespmem:v20+s4+$0x0], $0xffff;
	(erf) = vrcp.f32 v11  }
0x19b: {  	v58 =	vnsel vm4, $0xBF800000, v39;
	v16 =	vmul.f32 $4.725898060e-02, v51;
	v51 =	vmul.f32 $1.442695020e+00, v53;
	v53 =	vpop (erf)  }
0x19c: {  	vm8 =	vlt.f32 v28, $1.000000000e+00;
	v20 =	vmovc v47;
	v11 =	vmovc v48;
	v39 =	vmul.f32 v55, v34;
	(erf) = vpow2.f32 v43  }
0x19d: {  	vm9 =	vlt.f32 v22, $1.000000000e+00;
	vm7 =	vlt.f32 v16, $1.000000000e+00;
	v34 =	vadd.f32 $-1.000000000e+00, v16;
	v43 =	vld.idx.msk [tilespmem:v10+s4+$0x0], $0xffff;
	v10 =	vmovc v45  }
0x19e: {  	v45 =	vnsel vm8, $0xBF800000, v54;
	(erf) = vrcp.f32 v31;
	v31 =	vsub.f32 $1.000000000e+00, v53  }
0x19f: {  	v49 =	vsub.f32 $1.000000000e+00, v49;
	v34 =	vnsel vm7, $0xBF800000, v34;
	v47 =	vpop (erf);
	(erf) = vrcp.f32 v58;
	v48 =	vld.idx.msk [tilespmem:v12+s4+$0x0], $0xffff  }
0x1a0: {  	v46 =	vmul.f32 v47, v46;
	v47 =	vmul.f32 v57, v56;
	v53 =	vld.idx.msk [tilespmem:v13+s4+$0x0], $0xffff;
	v31 =	vnsel vm14, $0x3F800000, v31;
	v12 =	vpop (erf)  }
0x1a1: {  	v50 =	vnsel vm9, $0xBF800000, v50;
	v13 =	vmovc v44;
	(erf) = vrcp.f32 v34;
	v54 =	vsub.f32 $1.000000000e+00, v12;
	v12 =	vmovc v42  }
0x1a2: {  	vm11 =	vmmov vm15;
	v42 =	vmul.f32 $1.442695020e+00, v46;
	(erf) = vpow2.f32 v51  }
0x1a3: {  	v46 =	vmul.f32 v31, v43;
	(erf) = vrcp.f32 v50;
	v44 =	vnsel vm13, $0x3F800000, v54;
	v34 =	vpop (erf)  }
.Ltmp5:
0x1a4: {  	v43 =	vnsel vm3, $0x3F800000, v49;
	(erf) = vpow2.f32 v42;
	v42 =	vmul.f32 v47, v35;
	v35 =	vld.idx.msk [tilespmem:v17+s4+$0x0], $0xffff;
	v17 =	vmovc v41;
	(pc) =	sbr.rel @p2 .LBB2_7-.Ltmp5, $4  }
0x1a5: {  	vm3 =	vmmov vm0;
	v31 =	vld.idx.msk [tilespmem:v37+s4+$0x0], $0xffff;
	(erf) = vrcp.f32 v45;
	v37 =	vmul.f32 v43, v48;
	v41 =	vpop (erf)  }
0x1a6: {  	v44 =	vmul.f32 v44, v53;
	(erf) = vrcp.f32 v36;
	v38 =	vadd.f32 v42, v38  }
0x1a7: {  	v42 =	vsub.f32 $1.000000000e+00, v41;
	v36 =	vmul.f32 v46, v30;
	v43 =	vpop (erf);
	(erf) = vrcp.f32 v40  }
0x1a8: {  	v37 =	vmul.f32 v37, v29;
	v40 =	vpop (erf);
	v41 =	vadd.f32 v52, v38;
	v38 =	vmul.f32 v44, v32  }
0x1a9: {  	(erf) = vrcp.f32 v33;
	_ =	sdelay $0x1  }
0x1aa: {  	v29 =	vpop (erf)  }
0x1ab: {  	v30 =	vpop (erf)  }
0x1ac: {  	v32 =	vpop (erf)  }
0x1ad: {  	v59 =	vpop (erf)  }
0x1ae: {  	v44 =	vpop (erf)  }
0x1af: {  	v27 =	vmul.f32 v43, v27;
	v45 =	vpop (erf)  }
0x1b0: {  	v39 =	vmul.f32 $1.442695020e+00, v39;
	v60 =	vpop (erf)  }
0x1b1: {  	v27 =	vmul.f32 $1.442695020e+00, v27;
	v61 =	vpop (erf)  }
0x1b2: {  	(erf) = vpow2.f32 v39;
	v14 =	vmul.f32 v61, v14  }
0x1b3: {  	v21 =	vmul.f32 v40, v21;
	(erf) = vpow2.f32 v27  }
0x1b4: {  	v28 =	vmul.f32 v44, v28;
	v14 =	vmul.f32 $1.442695020e+00, v14  }
0x1b5: {  	v21 =	vmul.f32 $1.442695020e+00, v21;
	v22 =	vmul.f32 v32, v22  }
0x1b6: {  	v62 =	vnsel vm6, $0x3F800000, v42;
	v28 =	vmul.f32 $1.442695020e+00, v28;
	(erf) = vpow2.f32 v14  }
0x1b7: {  	v63 =	vmul.f32 v62, v35;
	(erf) = vpow2.f32 v21  }
0x1b8: {  	v27 =	vmul.f32 $1.442695020e+00, v22;
	(erf) = vpow2.f32 v28  }
0x1b9: {  	v9 =	vadd.f32 v9, v41;
	v7 =	vmul.f32 v63, v7;
	(erf) = vrcp.f32 v11  }
0x1ba: {  	v28 =	vld.idx.msk [tilespmem:v19+s4+$0x0], $0xffff;
	(erf) = vpow2.f32 v27  }
0x1bb: {  	v7 =	vadd.f32 v7, v9  }
0x1bc: {  	v35 =	vld.idx.msk [tilespmem:v20+s4+$0x0], $0xffff;
	v30 =	vsub.f32 $1.000000000e+00, v30;
	v32 =	vpop (erf)  }
0x1bd: {  	vm0 =	vmmov vm10;
	v40 =	vld.idx.msk [tilespmem:v25+s4+$0x0], $0xffff;
	v16 =	vmul.f32 v29, v16;
	v7 =	vadd.f32 v38, v7;
	v39 =	vpop (erf)  }
0x1be: {  	v9 =	vnsel vm2, $0x3F800000, v30;
	v41 =	vsub.f32 $1.000000000e+00, v59;
	v20 =	vsub.f32 $1.000000000e+00, v39  }
0x1bf: {  	v16 =	vmul.f32 $1.442695020e+00, v16;
	v7 =	vadd.f32 v36, v7;
	v9 =	vmul.f32 v9, v28;
	v42 =	vpop (erf)  }
0x1c0: {  	v22 =	vnsel vm5, $0x3F800000, v41;
	v14 =	vsub.f32 $1.000000000e+00, v32;
	v20 =	vnsel vm0, $0x3F800000, v20;
	v44 =	vpop (erf)  }
0x1c1: {  	v7 =	vadd.f32 v37, v7;
	v19 =	vmul.f32 v20, v35;
	v9 =	vmul.f32 v9, v34;
	v46 =	vpop (erf)  }
0x1c2: {  	v17 =	vld.idx.msk [tilespmem:v17+s4+$0x0], $0xffff;
	v21 =	vmul.f32 v22, v40;
	v14 =	vnsel vm11, $0x3F800000, v14;
	(erf) = vpow2.f32 v16;
	v47 =	vpop (erf)  }
0x1c3: {  	v48 =	vmul.f32 v14, v31;
	v49 =	vmul.f32 v19, v45;
	v7 =	vadd.f32 v9, v7;
	v50 =	vpop (erf)  }
0x1c4: {  	v13 =	vld.idx.msk [tilespmem:v13+s4+$0x0], $0xffff;
	vm2 =	vmmov vm4;
	vm0 =	vmmov vm9;
	v19 =	vsub.f32 $1.000000000e+00, v50  }
0x1c5: {  	v10 =	vld.idx.msk [tilespmem:v10+s4+$0x0], $0xffff;
	v51 =	vmul.f32 v21, v23;
	v8 =	vmul.f32 v48, v8;
	v7 =	vadd.f32 v49, v7  }
0x1c6: {  	v53 =	vsub.f32 $1.000000000e+00, v44;
	v52 =	vsub.f32 $1.000000000e+00, v46;
	v19 =	vnsel vm0, $0x3F800000, v19  }
0x1c7: {  	v7 =	vadd.f32 v8, v7;
	vm0 =	vmmov vm8;
	v8 =	vmul.f32 v19, v17  }
0x1c8: {  	v12 =	vld.idx.msk [tilespmem:v12+s4+$0x0], $0xffff;
	v55 =	vnsel vm2, $0x3F800000, v53;
	v14 =	vnsel vm0, $0x3F800000, v52  }
0x1c9: {  	v7 =	vadd.f32 v51, v7;
	v13 =	vmul.f32 v14, v13;
	v8 =	vmul.f32 v8, v15  }
0x1ca: {  	v56 =	vld.idx.msk [tilespmem:v24+s4+$0x0], $0xffff;
	v54 =	vsub.f32 $1.000000000e+00, v42;
	v10 =	vmul.f32 v55, v10  }
0x1cb: {  	v58 =	vpop (erf);
	v57 =	vmul.f32 v13, v60;
	v7 =	vadd.f32 v8, v7  }
0x1cc: {  	v59 =	vsub.f32 $1.000000000e+00, v58;
	v10 =	vmul.f32 v10, v26;
	v8 =	vnsel vm3, $0x3F800000, v54  }
0x1cd: {  	vm0 =	vmmov vm7;
	v8 =	vmul.f32 v8, v12;
	v7 =	vadd.f32 v57, v7  }
0x1ce: {  	v9 =	vnsel vm0, $0x3F800000, v59  }
0x1cf: {  	s0 =	sshll.u32 s3, $0x4;
	v9 =	vmul.f32 v9, v56;
	v8 =	vmul.f32 v8, v18;
	v7 =	vadd.f32 v10, v7  }
0x1d0: {  	v60 =	vld.idx.msk [tilespmem:v1+s0+$0x0 ss:$0x1], $0xffff  }
0x1d1: {  	v7 =	vadd.f32 v8, v7;
	v8 =	vmul.f32 v9, v47  }
0x1d2: {  	s2 =	sor.u32 $0x1, s0  }
0x1d3: {  	v61 =	vadd.s32 s2, v5;
	v7 =	vadd.f32 v8, v7  }
0x1d4: {  	v8 =	vmin.u32 v61, $0x18F  }
0x1d5: {  	v7 =	vmul.f32 v60, v7;
	_ =	sdelay $0x1  }
0x1d6: {  	v7 =	vmul.f32 $7.199822900e+00, v7  }
0x1d7: {  	v62 =	vld [tilespmem:s0+$0x18D80]  }
0x1d8: {  	(xrf2) =	vadd.scan.msk.f32 $0xffff, v7;
	v7 =	vld.idx.msk [tilespmem:v8+s25+$0x0], $0xffff;
	_ =	sdelay $0x4  }
0x1d9: {  	vm2 =	vcmask $0x3F3C;
	vm0 =	vne.s32 v62, v7  }
0x1da: {  	vm2 =	vmor vm0, vm2  }
0x1db: {  	s3 =	sadd.s32 $0x1, s3;
	vm0 =	vmand vm0, vm1  }
0x1dc: {  	p2 =	sne.s32 s3, $0x19  }
.Ltmp6:
0x1dd: {  	_ = 	snop;
	(pc) =	sbr.rel @p2 .LBB2_6-.Ltmp6, $4  }
0x1de: {  	v8, _, _ =	vpop (xrf2)  }
0x1df: {  	v63 =	vsub.f32 $0.0e+00, v8  }
0x1e0: {  	[tilespmem:v62+s29+$0x0] =	vst.idx.add.f32.msk vm2, v8  }
0x1e1: {  	s1 =	sadd.s32 $0x200, s1;
	[tilespmem:v7+s29+$0x0] =	vst.idx.add.f32.msk vm0, v63  }
0x1e2: {  	s0 =	simm.s32 @!p1 $0x0;
	s1 =	simm.s32 @!p1 $0xF580  }
0x1e3: {  	[tilespmem:s1], [sflag:$0x3] =	stream.linear.gather @!p1 [hbm4b:s15+s0], $0x3200, $0x38;
	[tilespmem:$0x1BFB8] =	vst v63  }
0x1e4: {  	s1 =	simm.s32 @!p1 $0x15980  }
0x1e5: {  	[tilespmem:s1], [sflag:$0x3] =	stream.linear.gather @!p1 [hbm4b:s16+s0], $0x3200, $0x38;
	[tilespmem:$0x1BFB8] =	vst v63  }
0x1e6: {  	s1 =	simm.s32 @!p1 $0x18D80  }
0x1e7: {  	[tilespmem:s1], [sflag:$0x3] =	stream.linear.gather @!p1 [hbm4b:s13+s0], $0x190, $0x38;
	[tilespmem:$0x1BFB8] =	vst v63  }
0x1e8: {  	_ =	swait.ge [sflag:s28], $0x3200  }
0x1e9: {  	[sflag:s28] =	ssyncset.done $0x0  }
0x1ea: {  	[sflag:s28] =	ssyncadd.s32 $0xFFFFCE00  }
0x1eb: {  	_ =	swait.ge [sflag:s28], $0x3200  }
0x1ec: {  	[sflag:s28] =	ssyncset.done $0x0  }
0x1ed: {  	[sflag:s28] =	ssyncadd.s32 $0xFFFFCE00  }
0x1ee: {  	_ =	swait.ge [sflag:s28], $0x190  }
0x1ef: {  	[sflag:s28] =	ssyncset.done $0x0  }
0x1f0: {  	s3 =	simm.s32 $0x0;
	s1 =	simm.s32 $0x0;
	[sflag:s28] =	ssyncadd.s32 $0xFFFFFE70  }
.LBB2_10:
0x1f1: {  	s0 =	sadd.s32 $0xFFFFFFF8, s1  }
0x1f2: {  	s2 =	sadd.s32 $0x9, s0  }
0x1f3: {  	s7 =	sadd.s32 $0xA, s0;
	v9 =	vor.u32 s2, v6  }
0x1f4: {  	s5 =	sadd.s32 $0xE, s0;
	v14 =	vor.u32 s7, v6  }
0x1f5: {  	s17 =	sadd.s32 $0xB, s0;
	v10 =	vor.u32 s5, v6  }
0x1f6: {  	s6 =	sadd.s32 $0xD, s0;
	v8 =	vor.u32 s17, v6  }
0x1f7: {  	v13 =	vor.u32 s6, v6  }
0x1f8: {  	v7 =	vld.idx.msk [tilespmem:v9+s20+$0x0], $0xffff  }
0x1f9: {  	v15 =	vld.idx.msk [tilespmem:v14+s20+$0x0], $0xffff  }
0x1fa: {  	s7 =	sadd.s32 $0x8, s0;
	v18 =	vld.idx.msk [tilespmem:v10+s20+$0x0], $0xffff  }
0x1fb: {  	v11 =	vor.u32 s7, v6;
	v19 =	vld.idx.msk [tilespmem:v8+s20+$0x0], $0xffff  }
0x1fc: {  	v20 =	vld.idx.msk [tilespmem:v13+s20+$0x0], $0xffff  }
0x1fd: {  	v12 =	vmul.f32 v7, v7  }
0x1fe: {  	s17 =	sadd.s32 $0xF, s0;
	s0 =	sadd.s32 $0xC, s0;
	v16 =	vmul.f32 v15, v15  }
0x1ff: {  	v17 =	vor.u32 s0, v6;
	(erf) = vrcp.f32 v18;
	v21 =	vmul.f32 $4.725898060e-02, v12  }
0x200: {  	v23 =	vld.idx.msk [tilespmem:v11+s20+$0x0], $0xffff;
	(erf) = vrcp.f32 v19;
	v12 =	vor.u32 s17, v6;
	v22 =	vmul.f32 $4.725898060e-02, v16  }
0x201: {  	(erf) = vrcp.f32 v20;
	v16 =	vadd.f32 $-1.000000000e+00, v21  }
0x202: {  	(erf) = vrcp.f32 v7;
	vm5 =	vlt.f32 v21, $1.000000000e+00;
	v7 =	vadd.f32 $-1.000000000e+00, v22  }
0x203: {  	(erf) = vrcp.f32 v15;
	vm3 =	vlt.f32 v22, $1.000000000e+00;
	v16 =	vnsel vm5, $0xBF800000, v16  }
0x204: {  	v24 =	vld.idx.msk [tilespmem:v17+s20+$0x0], $0xffff;
	v7 =	vnsel vm3, $0xBF800000, v7;
	(erf) = vrcp.f32 v16  }
0x205: {  	v16 =	vld.idx.msk [tilespmem:v12+s20+$0x0], $0xffff;
	(erf) = vrcp.f32 v7;
	v7 =	vmul.f32 v23, v23;
	_ =	sdelay $0x2  }
0x206: {  	v25 =	vmul.f32 v19, v19;
	v15 =	vmul.f32 v20, v20;
	v29 =	vpop (erf)  }
0x207: {  	v28 =	vmul.f32 v24, v24;
	v20 =	vmul.f32 $4.725898060e-02, v7;
	v7 =	vpop (erf)  }
0x208: {  	v26 =	vmul.f32 $4.725898060e-02, v15;
	v15 =	vmul.f32 v16, v16;
	v30 =	vpop (erf)  }
0x209: {  	v25 =	vmul.f32 $4.725898060e-02, v25;
	v28 =	vmul.f32 $4.725898060e-02, v28;
	v19 =	vpop (erf)  }
0x20a: {  	v31 =	vadd.f32 $-1.000000000e+00, v26;
	v27 =	vadd.f32 $-1.000000000e+00, v20;
	v15 =	vmul.f32 $4.725898060e-02, v15;
	v33 =	vpop (erf)  }
0x20b: {  	v34 =	vadd.f32 $-1.000000000e+00, v25;
	vm0 =	vlt.f32 v26, $1.000000000e+00;
	vm6 =	vlt.f32 v20, $1.000000000e+00;
	v32 =	vpop (erf)  }
0x20c: {  	v31 =	vnsel vm0, $0xBF800000, v31;
	v27 =	vnsel vm6, $0xBF800000, v27;
	v35 =	vadd.f32 $-1.000000000e+00, v15;
	v36 =	vpop (erf)  }
0x20d: {  	(erf) = vrcp.f32 v27;
	vm2 =	vlt.f32 v15, $1.000000000e+00;
	v22 =	vmul.f32 v36, v22  }
0x20e: {  	vm4 =	vlt.f32 v25, $1.000000000e+00;
	(erf) = vrcp.f32 v31;
	v27 =	vnsel vm2, $0xBF800000, v35  }
0x20f: {  	v31 =	vnsel vm4, $0xBF800000, v34;
	(erf) = vrcp.f32 v27;
	v22 =	vmul.f32 $1.442695020e+00, v22  }
0x210: {  	v18 =	vmul.f32 v18, v18;
	(erf) = vrcp.f32 v31  }
0x211: {  	v27 =	vadd.f32 $-1.000000000e+00, v28;
	(erf) = vpow2.f32 v22  }
0x212: {  	v14 =	vld.idx.msk [tilespmem:v14+s21+$0x0], $0xffff;
	v18 =	vmul.f32 $4.725898060e-02, v18;
	vm8 =	vlt.f32 v28, $1.000000000e+00  }
0x213: {  	v22 =	vnsel vm8, $0xBF800000, v27  }
0x214: {  	(erf) = vrcp.f32 v22;
	v22 =	vadd.f32 $-1.000000000e+00, v18  }
0x215: {  	vm7 =	vlt.f32 v18, $1.000000000e+00;
	(erf) = vrcp.f32 v23  }
0x216: {  	s0 =	sadd.s32 $0x0, s1;
	v23 =	vpop (erf);
	v22 =	vnsel vm7, $0xBF800000, v22;
	(erf) = vrcp.f32 v24  }
0x217: {  	s7 =	sadd.s32 $0xB, s0;
	v27 =	vpop (erf);
	(erf) = vrcp.f32 v22  }
0x218: {  	s5 =	sadd.s32 $0x9, s0;
	s6 =	sadd.s32 $0xE, s0;
	v21 =	vmul.f32 v32, v21;
	v24 =	vor.u32 s7, v6;
	v38 =	vpop (erf)  }
0x219: {  	v39 =	vor.u32 s5, v6;
	vm5 =	vmmov vm5;
	v34 =	vor.u32 s6, v6;
	s6 =	sadd.s32 $0xD, s0;
	v22 =	vpop (erf)  }
0x21a: {  	v14 =	vld.idx.msk [tilespmem:v14+s4+$0x0], $0xffff;
	vm12 =	vmmov vm8;
	v41 =	vor.u32 s6, v6;
	v21 =	vmul.f32 $1.442695020e+00, v21;
	s7 =	sadd.s32 $0xA, s0;
	v60 =	vpop (erf)  }
0x21b: {  	v40 =	vld.idx.msk [tilespmem:v9+s21+$0x0], $0xffff;
	s17 =	sadd.s32 $0x8, s0;
	v42 =	vor.u32 s7, v6;
	v26 =	vmul.f32 v27, v26;
	v32 =	vsub.f32 $1.000000000e+00, v60  }
0x21c: {  	v63 =	vld.idx.msk [tilespmem:v11+s21+$0x0], $0xffff;
	(erf) = vpow2.f32 v21;
	v21 =	vmul.f32 v23, v20;
	v20 =	vor.u32 s17, v6;
	s17 =	sadd.s32 $0xC, s0;
	s0 =	sadd.s32 $0xF, s0  }
0x21d: {  	v26 =	vmul.f32 $1.442695020e+00, v26;
	v38 =	vmul.f32 v38, v15;
	v44 =	vld.idx.msk [tilespmem:v24+s20+$0x0], $0xffff;
	v23 =	vpop (erf);
	v37 =	vor.u32 s0, v6  }
0x21e: {  	v25 =	vmul.f32 v22, v25;
	v23 =	vmul.f32 v23, v28;
	v35 =	vpop (erf);
	v28 =	vld.idx.msk [tilespmem:v39+s20+$0x0], $0xffff;
	v9 =	vnsel vm3, $0x3F800000, v32  }
0x21f: {  	vm0 =	vmmov vm0;
	v9 =	vmul.f32 v9, v14;
	v14 =	vmul.f32 $1.442695020e+00, v21;
	v21 =	vld.idx.msk [tilespmem:v34+s20+$0x0], $0xffff;
	v32 =	vpop (erf)  }
0x220: {  	vm2 =	vmmov vm2;
	v22 =	vld.idx.msk [tilespmem:v41+s20+$0x0], $0xffff;
	v38 =	vmul.f32 $1.442695020e+00, v38;
	v25 =	vmul.f32 $1.442695020e+00, v25;
	v27 =	vpop (erf)  }
0x221: {  	v31 =	vimm.f32 $0.0e+00;
	v23 =	vmul.f32 $1.442695020e+00, v23;
	v36 =	vld.idx.msk [tilespmem:v20+s20+$0x0], $0xffff;
	v18 =	vmul.f32 v27, v18  }
0x222: {  	v43 =	vor.u32 s17, v6;
	v9 =	vmul.f32 v9, v33;
	(erf) = vpow2.f32 v14;
	v11 =	vld.idx.msk [tilespmem:v37+s20+$0x0], $0xffff  }
0x223: {  	v61 =	vld.idx.msk [tilespmem:v42+s20+$0x0], $0xffff;
	vm3 =	vmmov vm7;
	v14 =	vmul.f32 v28, v28;
	v18 =	vmul.f32 $1.442695020e+00, v18  }
0x224: {  	vm7 =	vmmov vm6;
	v45 =	vmul.f32 v21, v21;
	(erf) = vrcp.f32 v21  }
0x225: {  	vm6 =	vmmov vm4;
	v21 =	vpop (erf);
	v46 =	vmul.f32 $4.725898060e-02, v14;
	(erf) = vpow2.f32 v18  }
0x226: {  	v14 =	vsub.f32 $1.000000000e+00, v21;
	v18 =	vmul.f32 v36, v36;
	(erf) = vrcp.f32 v44  }
0x227: {  	v40 =	vld.idx.msk [tilespmem:v40+s4+$0x0], $0xffff;
	vm11 =	vlt.f32 v46, $1.000000000e+00;
	v54 =	vmul.f32 v11, v11;
	(erf) = vrcp.f32 v22  }
0x228: {  	v21 =	vadd.f32 $-1.000000000e+00, v46;
	(erf) = vrcp.f32 v28;
	v28 =	vmul.f32 v61, v61  }
0x229: {  	v27 =	vmul.f32 $4.725898060e-02, v18;
	v18 =	vnsel vm5, $0x3F800000, v14;
	v14 =	vmul.f32 $4.725898060e-02, v45  }
0x22a: {  	v21 =	vnsel vm11, $0xBF800000, v21;
	(erf) = vrcp.f32 v61;
	v48 =	vmul.f32 $4.725898060e-02, v28  }
0x22b: {  	v13 =	vld.idx.msk [tilespmem:v13+s21+$0x0], $0xffff;
	v22 =	vmul.f32 v22, v22;
	vm11 =	vmmov vm11;
	(erf) = vrcp.f32 v21  }
0x22c: {  	v47 =	vld.idx.msk [tilespmem:v43+s20+$0x0], $0xffff;
	v55 =	vmul.f32 v18, v40;
	(erf) = vpow2.f32 v26;
	v26 =	vadd.f32 $-1.000000000e+00, v48  }
0x22d: {  	v62 =	vadd.f32 $-1.000000000e+00, v27;
	vm13 =	vlt.f32 v14, $1.000000000e+00;
	v56 =	vpop (erf);
	vm5 =	vlt.f32 v48, $1.000000000e+00  }
0x22e: {  	v52 =	vld.idx.msk [tilespmem:v10+s21+$0x0], $0xffff;
	v49 =	vadd.f32 $-1.000000000e+00, v14;
	v28 =	vmul.f32 v44, v44;
	v18 =	vpop (erf);
	v26 =	vnsel vm5, $0xBF800000, v26  }
0x22f: {  	vm10 =	vlt.f32 v27, $1.000000000e+00;
	v21 =	vmul.f32 $4.725898060e-02, v22;
	v51 =	vpop (erf);
	(erf) = vrcp.f32 v26  }
0x230: {  	v17 =	vld.idx.msk [tilespmem:v17+s21+$0x0], $0xffff;
	v50 =	vmul.f32 v55, v19;
	v40 =	vsub.f32 $1.000000000e+00, v56;
	v33 =	vnsel vm13, $0xBF800000, v49  }
0x231: {  	v10 =	vnsel vm10, $0xBF800000, v62;
	v22 =	vmul.f32 $4.725898060e-02, v28;
	v28 =	vmul.f32 v47, v47;
	v15 =	vpop (erf)  }
0x232: {  	v44 =	vld.idx.msk [tilespmem:v63+s4+$0x0], $0xffff;
	vm4 =	vlt.f32 v21, $1.000000000e+00;
	v53 =	vadd.f32 $-1.000000000e+00, v21;
	(erf) = vpow2.f32 v23;
	v26 =	vpop (erf)  }
0x233: {  	v49 =	vld.idx.msk [tilespmem:v8+s21+$0x0], $0xffff;
	v40 =	vnsel vm7, $0x3F800000, v40;
	v28 =	vmul.f32 $4.725898060e-02, v28;
	v57 =	vadd.f32 $-1.000000000e+00, v22;
	v8 =	vpop (erf)  }
0x234: {  	v13 =	vld.idx.msk [tilespmem:v13+s4+$0x0], $0xffff;
	v53 =	vnsel vm4, $0xBF800000, v53;
	vm9 =	vlt.f32 v22, $1.000000000e+00;
	(erf) = vrcp.f32 v16;
	v23 =	vpop (erf)  }
0x235: {  	v19 =	vld.idx.msk [tilespmem:v12+s21+$0x0], $0xffff;
	v62 =	vsub.f32 $1.000000000e+00, v51;
	v12 =	vadd.f32 $-1.000000000e+00, v28;
	(erf) = vpow2.f32 v25;
	v55 =	vpop (erf)  }
0x236: {  	v63 =	vld.idx.msk [tilespmem:v52+s4+$0x0], $0xffff;
	vm8 =	vlt.f32 v28, $1.000000000e+00;
	v16 =	vmul.f32 $4.725898060e-02, v54;
	(erf) = vrcp.f32 v10;
	v58 =	vpop (erf)  }
0x237: {  	v54 =	vld.idx.msk [tilespmem:v39+s21+$0x0], $0xffff;
	v39 =	vmul.f32 v55, v46;
	v55 =	vnsel vm8, $0xBF800000, v12;
	v12 =	vsub.f32 $1.000000000e+00, v58  }
0x238: {  	v56 =	vld.idx.msk [tilespmem:v17+s4+$0x0], $0xffff;
	v40 =	vmul.f32 v40, v44;
	v59 =	vadd.f32 $-1.000000000e+00, v16;
	(erf) = vrcp.f32 v53;
	v61 =	vpop (erf)  }
0x239: {  	v17 =	vnsel vm9, $0xBF800000, v57;
	v25 =	vld.idx.msk [tilespmem:v42+s21+$0x0], $0xffff;
	vm7 =	vlt.f32 v16, $1.000000000e+00;
	v42 =	vmul.f32 v61, v48  }
0x23a: {  	v20 =	vld.idx.msk [tilespmem:v20+s21+$0x0], $0xffff;
	v35 =	vmul.f32 v40, v35;
	v60 =	vnsel vm7, $0xBF800000, v59;
	v53 =	vnsel vm0, $0x3F800000, v12  }
0x23b: {  	v10 =	vld.idx.msk [tilespmem:v41+s21+$0x0], $0xffff;
	v12 =	vpop (erf);
	(erf) = vrcp.f32 v60;
	v60 =	vnsel vm3, $0x3F800000, v62;
	v42 =	vmul.f32 $1.442695020e+00, v42  }
0x23c: {  	v57 =	vsub.f32 $1.000000000e+00, v12;
	(erf) = vpow2.f32 v38;
	v12 =	vld.idx.msk [tilespmem:v34+s21+$0x0], $0xffff;
	v61 =	vmul.f32 v60, v63  }
0x23d: {  	v59 =	vmul.f32 v53, v13;
	vm3 =	vmmov vm13;
	(erf) = vrcp.f32 v17;
	v17 =	vld.idx.msk [tilespmem:v24+s21+$0x0], $0xffff  }
0x23e: {  	v34 =	vpop (erf);
	v24 =	vld.idx.msk [tilespmem:v37+s21+$0x0], $0xffff;
	v58 =	vnsel vm12, $0x3F800000, v57;
	(erf) = vpow2.f32 v42;
	v37 =	vmul.f32 v61, v29  }
0x23f: {  	v63 =	vadd.f32 v35, v31;
	v35 =	vld.idx.msk [tilespmem:v49+s4+$0x0], $0xffff;
	v62 =	vpop (erf);
	(erf) = vrcp.f32 v55;
	v38 =	vmul.f32 v58, v56  }
0x240: {  	v13 =	vld.idx.msk [tilespmem:v43+s21+$0x0], $0xffff;
	v43 =	vpop (erf);
	v42 =	vsub.f32 $1.000000000e+00, v62;
	(erf) = vrcp.f32 v36;
	v36 =	vmul.f32 v59, v30  }
0x241: {  	s17 =	simm.s32 $0x8;
	v31 =	vld.idx.msk [tilespmem:v54+s4+$0x0], $0xffff;
	v41 =	vadd.f32 v50, v63;
	v40 =	vpop (erf);
	(erf) = vrcp.f32 v47;
	v38 =	vmul.f32 v38, v32  }
.LBB2_11:
0x242: {  	v27 =	vmul.f32 v43, v27  }
0x243: {  	s0 =	sadd.s32 s17, s1;
	s17 =	sadd.s32 $0x8, s17;
	v32 =	vmul.f32 $1.442695020e+00, v39;
	v39 =	vnsel vm6, $0x3F800000, v42;
	v29 =	vmovc v18;
	v30 =	vmovc v26;
	vm12 =	vmmov vm10  }
0x244: {  	s2 =	sadd.s32 $0x8, s0;
	s5 =	sadd.s32 $0x9, s0;
	s6 =	sadd.s32 $0xB, s0;
	(erf) = vrcp.f32 v33;
	v33 =	vpop (erf);
	v9 =	vadd.f32 v9, v41;
	v18 =	vmul.f32 v39, v35;
	v19 =	vld.idx.msk [tilespmem:v19+s4+$0x0], $0xffff  }
0x245: {  	s7 =	sadd.s32 $0xE, s0;
	v26 =	vor.u32 s2, v6;
	v39 =	vor.u32 s5, v6;
	s2 =	sadd.s32 $0xA, s0;
	s5 =	sadd.s32 $0xC, s0;
	v27 =	vmul.f32 $1.442695020e+00, v27;
	v25 =	vld.idx.msk [tilespmem:v25+s4+$0x0], $0xffff;
	v35 =	vpop (erf)  }
0x246: {  	p2 =	slt.u32 s17, $0x18;
	v41 =	vor.u32 s6, v6;
	s6 =	sadd.s32 $0xD, s0;
	v42 =	vor.u32 s7, v6;
	v43 =	vpop (erf);
	v7 =	vmul.f32 v18, v7  }
0x247: {  	v18 =	vor.u32 s2, v6;
	v44 =	vor.u32 s5, v6;
	v46 =	vsub.f32 $1.000000000e+00, v35;
	v45 =	vpop (erf)  }
0x248: {  	s0 =	sadd.s32 $0xF, s0;
	v45 =	vsub.f32 $1.000000000e+00, v45;
	(erf) = vpow2.f32 v32;
	v32 =	vpop (erf);
	v50 =	vadd.f32 v7, v9  }
0x249: {  	v47 =	vor.u32 s6, v6;
	v48 =	vor.u32 s0, v6;
	v9 =	vnsel vm2, $0x3F800000, v46;
	v35 =	vpop (erf)  }
0x24a: {  	v28 =	vmul.f32 v32, v28;
	v46 =	vld.idx.msk [tilespmem:v39+s20+$0x0], $0xffff;
	v45 =	vnsel vm5, $0x3F800000, v45;
	v32 =	vpop (erf);
	v38 =	vadd.f32 v38, v50  }
0x24b: {  	v7 =	vmovc v15;
	v49 =	vld.idx.msk [tilespmem:v42+s20+$0x0], $0xffff;
	v25 =	vmul.f32 v45, v25;
	v45 =	vmul.f32 v9, v19;
	v19 =	vmov v24  }
0x24c: {  	v21 =	vmul.f32 v40, v21;
	v50 =	vmul.f32 $1.442695020e+00, v28;
	v15 =	vld.idx.msk [tilespmem:v41+s20+$0x0], $0xffff;
	v24 =	vadd.f32 v36, v38  }
0x24d: {  	vm14 =	vmmov vm4;
	v43 =	vmul.f32 v43, v22;
	v36 =	vld.idx.msk [tilespmem:v26+s20+$0x0], $0xffff;
	v9 =	vmul.f32 v25, v23;
	v22 =	vpop (erf)  }
0x24e: {  	v23 =	vld.idx.msk [tilespmem:v47+s20+$0x0], $0xffff;
	v14 =	vmul.f32 v22, v14;
	v40 =	vadd.f32 v37, v24;
	v24 =	vmul.f32 v45, v34  }
0x24f: {  	vm13 =	vmmov vm8;
	v21 =	vmul.f32 $1.442695020e+00, v21;
	v37 =	vld.idx.msk [tilespmem:v39+s21+$0x0], $0xffff;
	(erf) = vpow2.f32 v27  }
0x250: {  	v27 =	vmul.f32 v46, v46;
	v28 =	vld.idx.msk [tilespmem:v18+s20+$0x0], $0xffff;
	v14 =	vmul.f32 $1.442695020e+00, v14;
	v38 =	vadd.f32 v24, v40  }
0x251: {  	vm6 =	vmmov vm9;
	v25 =	vld.idx.msk [tilespmem:v18+s21+$0x0], $0xffff;
	v18 =	vmul.f32 v49, v49;
	(erf) = vrcp.f32 v49;
	v22 =	vpop (erf)  }
0x252: {  	v34 =	vmul.f32 $4.725898060e-02, v27;
	v45 =	vld.idx.msk [tilespmem:v47+s21+$0x0], $0xffff;
	v22 =	vsub.f32 $1.000000000e+00, v22;
	(erf) = vpow2.f32 v14  }
0x253: {  	vm2 =	vmmov vm7;
	v14 =	vmul.f32 v36, v36;
	v47 =	vld.idx.msk [tilespmem:v26+s21+$0x0], $0xffff;
	(erf) = vrcp.f32 v15  }
0x254: {  	vm15 =	vlt.f32 v34, $1.000000000e+00;
	v24 =	vadd.f32 $-1.000000000e+00, v34;
	v42 =	vld.idx.msk [tilespmem:v42+s21+$0x0], $0xffff;
	(erf) = vrcp.f32 v23  }
0x255: {  	v27 =	vmul.f32 $4.725898060e-02, v14;
	v22 =	vnsel vm11, $0x3F800000, v22;
	v40 =	vld.idx.msk [tilespmem:v44+s20+$0x0], $0xffff;
	(erf) = vrcp.f32 v46  }
0x256: {  	v14 =	vmul.f32 $4.725898060e-02, v18;
	v26 =	vnsel vm15, $0xBF800000, v24;
	v24 =	vmul.f32 v28, v28;
	v44 =	vld.idx.msk [tilespmem:v44+s21+$0x0], $0xffff  }
0x257: {  	v49 =	vmul.f32 v23, v23;
	v39 =	vadd.f32 $-1.000000000e+00, v27;
	v41 =	vld.idx.msk [tilespmem:v41+s21+$0x0], $0xffff;
	(erf) = vrcp.f32 v28  }
0x258: {  	vm0 =	vlt.f32 v14, $1.000000000e+00;
	v46 =	vmul.f32 $4.725898060e-02, v24;
	v24 =	vld.idx.msk [tilespmem:v48+s21+$0x0], $0xffff;
	(erf) = vrcp.f32 v26;
	v23 =	vpop (erf)  }
0x259: {  	v52 =	vmul.f32 v15, v15;
	vm10 =	vlt.f32 v27, $1.000000000e+00;
	(erf) = vpow2.f32 v21  }
0x25a: {  	v28 =	vmul.f32 v22, v31;
	v54 =	vadd.f32 $-1.000000000e+00, v46;
	v21 =	vmul.f32 $4.725898060e-02, v49;
	v48 =	vld.idx.msk [tilespmem:v48+s20+$0x0], $0xffff;
	v18 =	vpop (erf)  }
0x25b: {  	v22 =	vmul.f32 $4.725898060e-02, v52;
	vm5 =	vlt.f32 v46, $1.000000000e+00;
	v31 =	vmul.f32 v40, v40;
	v49 =	vpop (erf)  }
0x25c: {  	v51 =	vadd.f32 $-1.000000000e+00, v14;
	v52 =	vmul.f32 v28, v8;
	v53 =	vnsel vm5, $0xBF800000, v54;
	v15 =	vpop (erf)  }
0x25d: {  	vm4 =	vlt.f32 v21, $1.000000000e+00;
	(erf) = vrcp.f32 v53;
	v26 =	vpop (erf);
	v53 =	vmul.f32 v33, v16  }
0x25e: {  	v28 =	vmul.f32 $4.725898060e-02, v31;
	v33 =	vnsel vm0, $0xBF800000, v51;
	v8 =	vpop (erf);
	(erf) = vpow2.f32 v50  }
0x25f: {  	v31 =	vnsel vm10, $0xBF800000, v39;
	v16 =	vsub.f32 $1.000000000e+00, v23;
	v50 =	vadd.f32 $-1.000000000e+00, v22  }
0x260: {  	v43 =	vmul.f32 $1.442695020e+00, v43;
	v39 =	vadd.f32 $-1.000000000e+00, v21;
	v51 =	vmul.f32 v48, v48;
	v23 =	vpop (erf)  }
0x261: {  	v54 =	vadd.f32 $-1.000000000e+00, v28;
	v57 =	vnsel vm12, $0x3F800000, v16;
	v55 =	vpop (erf);
	v56 =	vld.idx.msk [tilespmem:v20+s4+$0x0], $0xffff;
	(erf) = vrcp.f32 v11  }
0x262: {  	v58 =	vnsel vm4, $0xBF800000, v39;
	v16 =	vmul.f32 $4.725898060e-02, v51;
	v51 =	vmul.f32 $1.442695020e+00, v53;
	v53 =	vpop (erf)  }
0x263: {  	vm8 =	vlt.f32 v28, $1.000000000e+00;
	v20 =	vmovc v47;
	v11 =	vmovc v48;
	v39 =	vmul.f32 v55, v34;
	(erf) = vpow2.f32 v43  }
0x264: {  	vm9 =	vlt.f32 v22, $1.000000000e+00;
	vm7 =	vlt.f32 v16, $1.000000000e+00;
	v34 =	vadd.f32 $-1.000000000e+00, v16;
	v43 =	vld.idx.msk [tilespmem:v10+s4+$0x0], $0xffff;
	v10 =	vmovc v45  }
0x265: {  	v45 =	vnsel vm8, $0xBF800000, v54;
	(erf) = vrcp.f32 v31;
	v31 =	vsub.f32 $1.000000000e+00, v53  }
0x266: {  	v49 =	vsub.f32 $1.000000000e+00, v49;
	v34 =	vnsel vm7, $0xBF800000, v34;
	v47 =	vpop (erf);
	(erf) = vrcp.f32 v58;
	v48 =	vld.idx.msk [tilespmem:v12+s4+$0x0], $0xffff  }
0x267: {  	v46 =	vmul.f32 v47, v46;
	v47 =	vmul.f32 v57, v56;
	v53 =	vld.idx.msk [tilespmem:v13+s4+$0x0], $0xffff;
	v31 =	vnsel vm14, $0x3F800000, v31;
	v12 =	vpop (erf)  }
0x268: {  	v50 =	vnsel vm9, $0xBF800000, v50;
	v13 =	vmovc v44;
	(erf) = vrcp.f32 v34;
	v54 =	vsub.f32 $1.000000000e+00, v12;
	v12 =	vmovc v42  }
0x269: {  	vm11 =	vmmov vm15;
	v42 =	vmul.f32 $1.442695020e+00, v46;
	(erf) = vpow2.f32 v51  }
0x26a: {  	v46 =	vmul.f32 v31, v43;
	(erf) = vrcp.f32 v50;
	v44 =	vnsel vm13, $0x3F800000, v54;
	v34 =	vpop (erf)  }
.Ltmp7:
0x26b: {  	v43 =	vnsel vm3, $0x3F800000, v49;
	(erf) = vpow2.f32 v42;
	v42 =	vmul.f32 v47, v35;
	v35 =	vld.idx.msk [tilespmem:v17+s4+$0x0], $0xffff;
	v17 =	vmovc v41;
	(pc) =	sbr.rel @p2 .LBB2_11-.Ltmp7, $4  }
0x26c: {  	vm3 =	vmmov vm0;
	v31 =	vld.idx.msk [tilespmem:v37+s4+$0x0], $0xffff;
	(erf) = vrcp.f32 v45;
	v37 =	vmul.f32 v43, v48;
	v41 =	vpop (erf)  }
0x26d: {  	v44 =	vmul.f32 v44, v53;
	(erf) = vrcp.f32 v36;
	v38 =	vadd.f32 v42, v38  }
0x26e: {  	v42 =	vsub.f32 $1.000000000e+00, v41;
	v36 =	vmul.f32 v46, v30;
	v43 =	vpop (erf);
	(erf) = vrcp.f32 v40  }
0x26f: {  	v37 =	vmul.f32 v37, v29;
	v40 =	vpop (erf);
	v41 =	vadd.f32 v52, v38;
	v38 =	vmul.f32 v44, v32  }
0x270: {  	(erf) = vrcp.f32 v33;
	_ =	sdelay $0x1  }
0x271: {  	v29 =	vpop (erf)  }
0x272: {  	v30 =	vpop (erf)  }
0x273: {  	v32 =	vpop (erf)  }
0x274: {  	v59 =	vpop (erf)  }
0x275: {  	v44 =	vpop (erf)  }
0x276: {  	v27 =	vmul.f32 v43, v27;
	v45 =	vpop (erf)  }
0x277: {  	v39 =	vmul.f32 $1.442695020e+00, v39;
	v60 =	vpop (erf)  }
0x278: {  	v27 =	vmul.f32 $1.442695020e+00, v27;
	v61 =	vpop (erf)  }
0x279: {  	(erf) = vpow2.f32 v39;
	v14 =	vmul.f32 v61, v14  }
0x27a: {  	v21 =	vmul.f32 v40, v21;
	(erf) = vpow2.f32 v27  }
0x27b: {  	v28 =	vmul.f32 v44, v28;
	v14 =	vmul.f32 $1.442695020e+00, v14  }
0x27c: {  	v21 =	vmul.f32 $1.442695020e+00, v21;
	v22 =	vmul.f32 v32, v22  }
0x27d: {  	v62 =	vnsel vm6, $0x3F800000, v42;
	v28 =	vmul.f32 $1.442695020e+00, v28;
	(erf) = vpow2.f32 v14  }
0x27e: {  	v63 =	vmul.f32 v62, v35;
	(erf) = vpow2.f32 v21  }
0x27f: {  	v27 =	vmul.f32 $1.442695020e+00, v22;
	(erf) = vpow2.f32 v28  }
0x280: {  	v9 =	vadd.f32 v9, v41;
	v7 =	vmul.f32 v63, v7;
	(erf) = vrcp.f32 v11  }
0x281: {  	v28 =	vld.idx.msk [tilespmem:v19+s4+$0x0], $0xffff;
	(erf) = vpow2.f32 v27  }
0x282: {  	v7 =	vadd.f32 v7, v9  }
0x283: {  	v35 =	vld.idx.msk [tilespmem:v20+s4+$0x0], $0xffff;
	v30 =	vsub.f32 $1.000000000e+00, v30;
	v32 =	vpop (erf)  }
0x284: {  	vm0 =	vmmov vm10;
	v40 =	vld.idx.msk [tilespmem:v25+s4+$0x0], $0xffff;
	v16 =	vmul.f32 v29, v16;
	v7 =	vadd.f32 v38, v7;
	v39 =	vpop (erf)  }
0x285: {  	v9 =	vnsel vm2, $0x3F800000, v30;
	v41 =	vsub.f32 $1.000000000e+00, v59;
	v20 =	vsub.f32 $1.000000000e+00, v39  }
0x286: {  	v16 =	vmul.f32 $1.442695020e+00, v16;
	v7 =	vadd.f32 v36, v7;
	v9 =	vmul.f32 v9, v28;
	v42 =	vpop (erf)  }
0x287: {  	v22 =	vnsel vm5, $0x3F800000, v41;
	v14 =	vsub.f32 $1.000000000e+00, v32;
	v20 =	vnsel vm0, $0x3F800000, v20;
	v44 =	vpop (erf)  }
0x288: {  	v7 =	vadd.f32 v37, v7;
	v19 =	vmul.f32 v20, v35;
	v9 =	vmul.f32 v9, v34;
	v46 =	vpop (erf)  }
0x289: {  	v17 =	vld.idx.msk [tilespmem:v17+s4+$0x0], $0xffff;
	v21 =	vmul.f32 v22, v40;
	v14 =	vnsel vm11, $0x3F800000, v14;
	(erf) = vpow2.f32 v16;
	v47 =	vpop (erf)  }
0x28a: {  	v48 =	vmul.f32 v14, v31;
	v49 =	vmul.f32 v19, v45;
	v7 =	vadd.f32 v9, v7;
	v50 =	vpop (erf)  }
0x28b: {  	v13 =	vld.idx.msk [tilespmem:v13+s4+$0x0], $0xffff;
	vm2 =	vmmov vm4;
	vm0 =	vmmov vm9;
	v19 =	vsub.f32 $1.000000000e+00, v50  }
0x28c: {  	v10 =	vld.idx.msk [tilespmem:v10+s4+$0x0], $0xffff;
	v51 =	vmul.f32 v21, v23;
	v8 =	vmul.f32 v48, v8;
	v7 =	vadd.f32 v49, v7  }
0x28d: {  	v53 =	vsub.f32 $1.000000000e+00, v44;
	v52 =	vsub.f32 $1.000000000e+00, v46;
	v19 =	vnsel vm0, $0x3F800000, v19  }
0x28e: {  	v7 =	vadd.f32 v8, v7;
	vm0 =	vmmov vm8;
	v8 =	vmul.f32 v19, v17  }
0x28f: {  	v12 =	vld.idx.msk [tilespmem:v12+s4+$0x0], $0xffff;
	v55 =	vnsel vm2, $0x3F800000, v53;
	v14 =	vnsel vm0, $0x3F800000, v52  }
0x290: {  	v7 =	vadd.f32 v51, v7;
	v13 =	vmul.f32 v14, v13;
	v8 =	vmul.f32 v8, v15  }
0x291: {  	v56 =	vld.idx.msk [tilespmem:v24+s4+$0x0], $0xffff;
	v54 =	vsub.f32 $1.000000000e+00, v42;
	v10 =	vmul.f32 v55, v10  }
0x292: {  	v58 =	vpop (erf);
	v57 =	vmul.f32 v13, v60;
	v7 =	vadd.f32 v8, v7  }
0x293: {  	v59 =	vsub.f32 $1.000000000e+00, v58;
	v10 =	vmul.f32 v10, v26;
	v8 =	vnsel vm3, $0x3F800000, v54  }
0x294: {  	vm0 =	vmmov vm7;
	v8 =	vmul.f32 v8, v12;
	v7 =	vadd.f32 v57, v7  }
0x295: {  	v9 =	vnsel vm0, $0x3F800000, v59  }
0x296: {  	s0 =	sshll.u32 s3, $0x4;
	v9 =	vmul.f32 v9, v56;
	v8 =	vmul.f32 v8, v18;
	v7 =	vadd.f32 v10, v7  }
0x297: {  	v60 =	vld.idx.msk [tilespmem:v2+s0+$0x0 ss:$0x1], $0xffff  }
0x298: {  	v7 =	vadd.f32 v8, v7;
	v8 =	vmul.f32 v9, v47  }
0x299: {  	s2 =	sor.u32 $0x1, s0  }
0x29a: {  	v61 =	vadd.s32 s2, v5;
	v7 =	vadd.f32 v8, v7  }
0x29b: {  	v8 =	vmin.u32 v61, $0x18F  }
0x29c: {  	v7 =	vmul.f32 v60, v7;
	_ =	sdelay $0x1  }
0x29d: {  	v7 =	vmul.f32 $7.199822900e+00, v7  }
0x29e: {  	v62 =	vld [tilespmem:s0+$0x18B80]  }
0x29f: {  	(xrf2) =	vadd.scan.msk.f32 $0xffff, v7;
	v7 =	vld.idx.msk [tilespmem:v8+s22+$0x0], $0xffff;
	_ =	sdelay $0x4  }
0x2a0: {  	vm2 =	vcmask $0x3F3C;
	vm0 =	vne.s32 v62, v7  }
0x2a1: {  	vm2 =	vmor vm0, vm2  }
0x2a2: {  	s3 =	sadd.s32 $0x1, s3;
	vm0 =	vmand vm0, vm1  }
0x2a3: {  	p2 =	sne.s32 s3, $0x19  }
.Ltmp8:
0x2a4: {  	_ = 	snop;
	(pc) =	sbr.rel @p2 .LBB2_10-.Ltmp8, $4  }
0x2a5: {  	v8, _, _ =	vpop (xrf2)  }
0x2a6: {  	v63 =	vsub.f32 $0.0e+00, v8  }
0x2a7: {  	[tilespmem:v62+s29+$0x0] =	vst.idx.add.f32.msk vm2, v8  }
0x2a8: {  	s1 =	sadd.s32 $0x200, s1;
	[tilespmem:v7+s29+$0x0] =	vst.idx.add.f32.msk vm0, v63  }
.Ltmp9:
0x2a9: {  	(pc) =	sbr.rel @p1 .LBB2_18-.Ltmp9, $1  }
0x2aa: {  	_ =	sdelay $0x3  }
0x2ab: {  	_ =	swait.ge [sflag:s30], $0x3200  }
0x2ac: {  	[sflag:s30] =	ssyncset.done $0x0  }
0x2ad: {  	[sflag:s30] =	ssyncadd.s32 $0xFFFFCE00  }
0x2ae: {  	_ =	swait.ge [sflag:s30], $0x3200  }
0x2af: {  	[sflag:s30] =	ssyncset.done $0x0  }
0x2b0: {  	[sflag:s30] =	ssyncadd.s32 $0xFFFFCE00  }
0x2b1: {  	_ =	swait.ge [sflag:s30], $0x190  }
0x2b2: {  	[sflag:s30] =	ssyncset.done $0x0  }
0x2b3: {  	s1 =	simm.s32 $0x0;
	s3 =	simm.s32 $0x0;
	[sflag:s30] =	ssyncadd.s32 $0xFFFFFE70  }
.LBB2_15:
0x2b4: {  	s0 =	sadd.s32 $0xFFFFFFF8, s1  }
0x2b5: {  	s2 =	sadd.s32 $0x9, s0  }
0x2b6: {  	s7 =	sadd.s32 $0xA, s0;
	v9 =	vor.u32 s2, v6  }
0x2b7: {  	s5 =	sadd.s32 $0xE, s0;
	v14 =	vor.u32 s7, v6  }
0x2b8: {  	s17 =	sadd.s32 $0xB, s0;
	v10 =	vor.u32 s5, v6  }
0x2b9: {  	s6 =	sadd.s32 $0xD, s0;
	v8 =	vor.u32 s17, v6  }
0x2ba: {  	v13 =	vor.u32 s6, v6  }
0x2bb: {  	v7 =	vld.idx.msk [tilespmem:v9+s23+$0x0], $0xffff  }
0x2bc: {  	v15 =	vld.idx.msk [tilespmem:v14+s23+$0x0], $0xffff  }
0x2bd: {  	s7 =	sadd.s32 $0x8, s0;
	v18 =	vld.idx.msk [tilespmem:v10+s23+$0x0], $0xffff  }
0x2be: {  	v11 =	vor.u32 s7, v6;
	v19 =	vld.idx.msk [tilespmem:v8+s23+$0x0], $0xffff  }
0x2bf: {  	v20 =	vld.idx.msk [tilespmem:v13+s23+$0x0], $0xffff  }
0x2c0: {  	v12 =	vmul.f32 v7, v7  }
0x2c1: {  	s17 =	sadd.s32 $0xF, s0;
	s0 =	sadd.s32 $0xC, s0;
	v16 =	vmul.f32 v15, v15  }
0x2c2: {  	v17 =	vor.u32 s0, v6;
	(erf) = vrcp.f32 v18;
	v21 =	vmul.f32 $4.725898060e-02, v12  }
0x2c3: {  	v23 =	vld.idx.msk [tilespmem:v11+s23+$0x0], $0xffff;
	(erf) = vrcp.f32 v19;
	v12 =	vor.u32 s17, v6;
	v22 =	vmul.f32 $4.725898060e-02, v16  }
0x2c4: {  	(erf) = vrcp.f32 v20;
	v16 =	vadd.f32 $-1.000000000e+00, v21  }
0x2c5: {  	(erf) = vrcp.f32 v7;
	vm5 =	vlt.f32 v21, $1.000000000e+00;
	v7 =	vadd.f32 $-1.000000000e+00, v22  }
0x2c6: {  	(erf) = vrcp.f32 v15;
	vm3 =	vlt.f32 v22, $1.000000000e+00;
	v16 =	vnsel vm5, $0xBF800000, v16  }
0x2c7: {  	v24 =	vld.idx.msk [tilespmem:v17+s23+$0x0], $0xffff;
	v7 =	vnsel vm3, $0xBF800000, v7;
	(erf) = vrcp.f32 v16  }
0x2c8: {  	v16 =	vld.idx.msk [tilespmem:v12+s23+$0x0], $0xffff;
	(erf) = vrcp.f32 v7;
	v7 =	vmul.f32 v23, v23;
	_ =	sdelay $0x2  }
0x2c9: {  	v25 =	vmul.f32 v19, v19;
	v15 =	vmul.f32 v20, v20;
	v29 =	vpop (erf)  }
0x2ca: {  	v28 =	vmul.f32 v24, v24;
	v20 =	vmul.f32 $4.725898060e-02, v7;
	v7 =	vpop (erf)  }
0x2cb: {  	v26 =	vmul.f32 $4.725898060e-02, v15;
	v15 =	vmul.f32 v16, v16;
	v30 =	vpop (erf)  }
0x2cc: {  	v25 =	vmul.f32 $4.725898060e-02, v25;
	v28 =	vmul.f32 $4.725898060e-02, v28;
	v19 =	vpop (erf)  }
0x2cd: {  	v31 =	vadd.f32 $-1.000000000e+00, v26;
	v27 =	vadd.f32 $-1.000000000e+00, v20;
	v15 =	vmul.f32 $4.725898060e-02, v15;
	v33 =	vpop (erf)  }
0x2ce: {  	v34 =	vadd.f32 $-1.000000000e+00, v25;
	vm0 =	vlt.f32 v26, $1.000000000e+00;
	vm6 =	vlt.f32 v20, $1.000000000e+00;
	v32 =	vpop (erf)  }
0x2cf: {  	v31 =	vnsel vm0, $0xBF800000, v31;
	v27 =	vnsel vm6, $0xBF800000, v27;
	v35 =	vadd.f32 $-1.000000000e+00, v15;
	v36 =	vpop (erf)  }
0x2d0: {  	(erf) = vrcp.f32 v27;
	vm2 =	vlt.f32 v15, $1.000000000e+00;
	v22 =	vmul.f32 v36, v22  }
0x2d1: {  	vm4 =	vlt.f32 v25, $1.000000000e+00;
	(erf) = vrcp.f32 v31;
	v27 =	vnsel vm2, $0xBF800000, v35  }
0x2d2: {  	v31 =	vnsel vm4, $0xBF800000, v34;
	(erf) = vrcp.f32 v27;
	v22 =	vmul.f32 $1.442695020e+00, v22  }
0x2d3: {  	v18 =	vmul.f32 v18, v18;
	(erf) = vrcp.f32 v31  }
0x2d4: {  	v27 =	vadd.f32 $-1.000000000e+00, v28;
	(erf) = vpow2.f32 v22  }
0x2d5: {  	v14 =	vld.idx.msk [tilespmem:v14+s24+$0x0], $0xffff;
	v18 =	vmul.f32 $4.725898060e-02, v18;
	vm8 =	vlt.f32 v28, $1.000000000e+00  }
0x2d6: {  	v22 =	vnsel vm8, $0xBF800000, v27  }
0x2d7: {  	(erf) = vrcp.f32 v22;
	v22 =	vadd.f32 $-1.000000000e+00, v18  }
0x2d8: {  	vm7 =	vlt.f32 v18, $1.000000000e+00;
	(erf) = vrcp.f32 v23  }
0x2d9: {  	s0 =	sadd.s32 $0x0, s1;
	v23 =	vpop (erf);
	v22 =	vnsel vm7, $0xBF800000, v22;
	(erf) = vrcp.f32 v24  }
0x2da: {  	s7 =	sadd.s32 $0xB, s0;
	v27 =	vpop (erf);
	(erf) = vrcp.f32 v22  }
0x2db: {  	s5 =	sadd.s32 $0x9, s0;
	s6 =	sadd.s32 $0xE, s0;
	v21 =	vmul.f32 v32, v21;
	v24 =	vor.u32 s7, v6;
	v38 =	vpop (erf)  }
0x2dc: {  	v39 =	vor.u32 s5, v6;
	vm5 =	vmmov vm5;
	v34 =	vor.u32 s6, v6;
	s6 =	sadd.s32 $0xD, s0;
	v22 =	vpop (erf)  }
0x2dd: {  	v14 =	vld.idx.msk [tilespmem:v14+s4+$0x0], $0xffff;
	vm12 =	vmmov vm8;
	v41 =	vor.u32 s6, v6;
	v21 =	vmul.f32 $1.442695020e+00, v21;
	s7 =	sadd.s32 $0xA, s0;
	v60 =	vpop (erf)  }
0x2de: {  	v40 =	vld.idx.msk [tilespmem:v9+s24+$0x0], $0xffff;
	s17 =	sadd.s32 $0x8, s0;
	v42 =	vor.u32 s7, v6;
	v26 =	vmul.f32 v27, v26;
	v32 =	vsub.f32 $1.000000000e+00, v60  }
0x2df: {  	v63 =	vld.idx.msk [tilespmem:v11+s24+$0x0], $0xffff;
	(erf) = vpow2.f32 v21;
	v21 =	vmul.f32 v23, v20;
	v20 =	vor.u32 s17, v6;
	s17 =	sadd.s32 $0xC, s0;
	s0 =	sadd.s32 $0xF, s0  }
0x2e0: {  	v26 =	vmul.f32 $1.442695020e+00, v26;
	v38 =	vmul.f32 v38, v15;
	v44 =	vld.idx.msk [tilespmem:v24+s23+$0x0], $0xffff;
	v23 =	vpop (erf);
	v37 =	vor.u32 s0, v6  }
0x2e1: {  	v25 =	vmul.f32 v22, v25;
	v23 =	vmul.f32 v23, v28;
	v35 =	vpop (erf);
	v28 =	vld.idx.msk [tilespmem:v39+s23+$0x0], $0xffff;
	v9 =	vnsel vm3, $0x3F800000, v32  }
0x2e2: {  	vm0 =	vmmov vm0;
	v9 =	vmul.f32 v9, v14;
	v14 =	vmul.f32 $1.442695020e+00, v21;
	v21 =	vld.idx.msk [tilespmem:v34+s23+$0x0], $0xffff;
	v32 =	vpop (erf)  }
0x2e3: {  	vm2 =	vmmov vm2;
	v22 =	vld.idx.msk [tilespmem:v41+s23+$0x0], $0xffff;
	v38 =	vmul.f32 $1.442695020e+00, v38;
	v25 =	vmul.f32 $1.442695020e+00, v25;
	v27 =	vpop (erf)  }
0x2e4: {  	v31 =	vimm.f32 $0.0e+00;
	v23 =	vmul.f32 $1.442695020e+00, v23;
	v36 =	vld.idx.msk [tilespmem:v20+s23+$0x0], $0xffff;
	v18 =	vmul.f32 v27, v18  }
0x2e5: {  	v43 =	vor.u32 s17, v6;
	v9 =	vmul.f32 v9, v33;
	(erf) = vpow2.f32 v14;
	v11 =	vld.idx.msk [tilespmem:v37+s23+$0x0], $0xffff  }
0x2e6: {  	v61 =	vld.idx.msk [tilespmem:v42+s23+$0x0], $0xffff;
	vm3 =	vmmov vm7;
	v14 =	vmul.f32 v28, v28;
	v18 =	vmul.f32 $1.442695020e+00, v18  }
0x2e7: {  	vm7 =	vmmov vm6;
	v45 =	vmul.f32 v21, v21;
	(erf) = vrcp.f32 v21  }
0x2e8: {  	vm6 =	vmmov vm4;
	v21 =	vpop (erf);
	v46 =	vmul.f32 $4.725898060e-02, v14;
	(erf) = vpow2.f32 v18  }
0x2e9: {  	v14 =	vsub.f32 $1.000000000e+00, v21;
	v18 =	vmul.f32 v36, v36;
	(erf) = vrcp.f32 v44  }
0x2ea: {  	v40 =	vld.idx.msk [tilespmem:v40+s4+$0x0], $0xffff;
	vm11 =	vlt.f32 v46, $1.000000000e+00;
	v54 =	vmul.f32 v11, v11;
	(erf) = vrcp.f32 v22  }
0x2eb: {  	v21 =	vadd.f32 $-1.000000000e+00, v46;
	(erf) = vrcp.f32 v28;
	v28 =	vmul.f32 v61, v61  }
0x2ec: {  	v27 =	vmul.f32 $4.725898060e-02, v18;
	v18 =	vnsel vm5, $0x3F800000, v14;
	v14 =	vmul.f32 $4.725898060e-02, v45  }
0x2ed: {  	v21 =	vnsel vm11, $0xBF800000, v21;
	(erf) = vrcp.f32 v61;
	v48 =	vmul.f32 $4.725898060e-02, v28  }
0x2ee: {  	v13 =	vld.idx.msk [tilespmem:v13+s24+$0x0], $0xffff;
	v22 =	vmul.f32 v22, v22;
	vm11 =	vmmov vm11;
	(erf) = vrcp.f32 v21  }
0x2ef: {  	v47 =	vld.idx.msk [tilespmem:v43+s23+$0x0], $0xffff;
	v55 =	vmul.f32 v18, v40;
	(erf) = vpow2.f32 v26;
	v26 =	vadd.f32 $-1.000000000e+00, v48  }
0x2f0: {  	v62 =	vadd.f32 $-1.000000000e+00, v27;
	vm13 =	vlt.f32 v14, $1.000000000e+00;
	v56 =	vpop (erf);
	vm5 =	vlt.f32 v48, $1.000000000e+00  }
0x2f1: {  	v52 =	vld.idx.msk [tilespmem:v10+s24+$0x0], $0xffff;
	v49 =	vadd.f32 $-1.000000000e+00, v14;
	v28 =	vmul.f32 v44, v44;
	v18 =	vpop (erf);
	v26 =	vnsel vm5, $0xBF800000, v26  }
0x2f2: {  	vm10 =	vlt.f32 v27, $1.000000000e+00;
	v21 =	vmul.f32 $4.725898060e-02, v22;
	v51 =	vpop (erf);
	(erf) = vrcp.f32 v26  }
0x2f3: {  	v17 =	vld.idx.msk [tilespmem:v17+s24+$0x0], $0xffff;
	v50 =	vmul.f32 v55, v19;
	v40 =	vsub.f32 $1.000000000e+00, v56;
	v33 =	vnsel vm13, $0xBF800000, v49  }
0x2f4: {  	v10 =	vnsel vm10, $0xBF800000, v62;
	v22 =	vmul.f32 $4.725898060e-02, v28;
	v28 =	vmul.f32 v47, v47;
	v15 =	vpop (erf)  }
0x2f5: {  	v44 =	vld.idx.msk [tilespmem:v63+s4+$0x0], $0xffff;
	vm4 =	vlt.f32 v21, $1.000000000e+00;
	v53 =	vadd.f32 $-1.000000000e+00, v21;
	(erf) = vpow2.f32 v23;
	v26 =	vpop (erf)  }
0x2f6: {  	v49 =	vld.idx.msk [tilespmem:v8+s24+$0x0], $0xffff;
	v40 =	vnsel vm7, $0x3F800000, v40;
	v28 =	vmul.f32 $4.725898060e-02, v28;
	v57 =	vadd.f32 $-1.000000000e+00, v22;
	v8 =	vpop (erf)  }
0x2f7: {  	v13 =	vld.idx.msk [tilespmem:v13+s4+$0x0], $0xffff;
	v53 =	vnsel vm4, $0xBF800000, v53;
	vm9 =	vlt.f32 v22, $1.000000000e+00;
	(erf) = vrcp.f32 v16;
	v23 =	vpop (erf)  }
0x2f8: {  	v19 =	vld.idx.msk [tilespmem:v12+s24+$0x0], $0xffff;
	v62 =	vsub.f32 $1.000000000e+00, v51;
	v12 =	vadd.f32 $-1.000000000e+00, v28;
	(erf) = vpow2.f32 v25;
	v55 =	vpop (erf)  }
0x2f9: {  	v63 =	vld.idx.msk [tilespmem:v52+s4+$0x0], $0xffff;
	vm8 =	vlt.f32 v28, $1.000000000e+00;
	v16 =	vmul.f32 $4.725898060e-02, v54;
	(erf) = vrcp.f32 v10;
	v58 =	vpop (erf)  }
0x2fa: {  	v54 =	vld.idx.msk [tilespmem:v39+s24+$0x0], $0xffff;
	v39 =	vmul.f32 v55, v46;
	v55 =	vnsel vm8, $0xBF800000, v12;
	v12 =	vsub.f32 $1.000000000e+00, v58  }
0x2fb: {  	v56 =	vld.idx.msk [tilespmem:v17+s4+$0x0], $0xffff;
	v40 =	vmul.f32 v40, v44;
	v59 =	vadd.f32 $-1.000000000e+00, v16;
	(erf) = vrcp.f32 v53;
	v61 =	vpop (erf)  }
0x2fc: {  	v17 =	vnsel vm9, $0xBF800000, v57;
	v25 =	vld.idx.msk [tilespmem:v42+s24+$0x0], $0xffff;
	vm7 =	vlt.f32 v16, $1.000000000e+00;
	v42 =	vmul.f32 v61, v48  }
0x2fd: {  	v20 =	vld.idx.msk [tilespmem:v20+s24+$0x0], $0xffff;
	v35 =	vmul.f32 v40, v35;
	v60 =	vnsel vm7, $0xBF800000, v59;
	v53 =	vnsel vm0, $0x3F800000, v12  }
0x2fe: {  	v10 =	vld.idx.msk [tilespmem:v41+s24+$0x0], $0xffff;
	v12 =	vpop (erf);
	(erf) = vrcp.f32 v60;
	v60 =	vnsel vm3, $0x3F800000, v62;
	v42 =	vmul.f32 $1.442695020e+00, v42  }
0x2ff: {  	v57 =	vsub.f32 $1.000000000e+00, v12;
	(erf) = vpow2.f32 v38;
	v12 =	vld.idx.msk [tilespmem:v34+s24+$0x0], $0xffff;
	v61 =	vmul.f32 v60, v63  }
0x300: {  	v59 =	vmul.f32 v53, v13;
	vm3 =	vmmov vm13;
	(erf) = vrcp.f32 v17;
	v17 =	vld.idx.msk [tilespmem:v24+s24+$0x0], $0xffff  }
0x301: {  	v34 =	vpop (erf);
	v24 =	vld.idx.msk [tilespmem:v37+s24+$0x0], $0xffff;
	v58 =	vnsel vm12, $0x3F800000, v57;
	(erf) = vpow2.f32 v42;
	v37 =	vmul.f32 v61, v29  }
0x302: {  	v63 =	vadd.f32 v35, v31;
	v35 =	vld.idx.msk [tilespmem:v49+s4+$0x0], $0xffff;
	v62 =	vpop (erf);
	(erf) = vrcp.f32 v55;
	v38 =	vmul.f32 v58, v56  }
0x303: {  	v13 =	vld.idx.msk [tilespmem:v43+s24+$0x0], $0xffff;
	v43 =	vpop (erf);
	v42 =	vsub.f32 $1.000000000e+00, v62;
	(erf) = vrcp.f32 v36;
	v36 =	vmul.f32 v59, v30  }
0x304: {  	s17 =	simm.s32 $0x8;
	v31 =	vld.idx.msk [tilespmem:v54+s4+$0x0], $0xffff;
	v41 =	vadd.f32 v50, v63;
	v40 =	vpop (erf);
	(erf) = vrcp.f32 v47;
	v38 =	vmul.f32 v38, v32  }
.LBB2_16:
0x305: {  	v27 =	vmul.f32 v43, v27  }
0x306: {  	s0 =	sadd.s32 s17, s1;
	s17 =	sadd.s32 $0x8, s17;
	v32 =	vmul.f32 $1.442695020e+00, v39;
	v39 =	vnsel vm6, $0x3F800000, v42;
	v29 =	vmovc v18;
	v30 =	vmovc v26;
	vm12 =	vmmov vm10  }
0x307: {  	s2 =	sadd.s32 $0x8, s0;
	s5 =	sadd.s32 $0x9, s0;
	s6 =	sadd.s32 $0xB, s0;
	(erf) = vrcp.f32 v33;
	v33 =	vpop (erf);
	v9 =	vadd.f32 v9, v41;
	v18 =	vmul.f32 v39, v35;
	v19 =	vld.idx.msk [tilespmem:v19+s4+$0x0], $0xffff  }
0x308: {  	s7 =	sadd.s32 $0xE, s0;
	v26 =	vor.u32 s2, v6;
	v39 =	vor.u32 s5, v6;
	s2 =	sadd.s32 $0xA, s0;
	s5 =	sadd.s32 $0xC, s0;
	v27 =	vmul.f32 $1.442695020e+00, v27;
	v25 =	vld.idx.msk [tilespmem:v25+s4+$0x0], $0xffff;
	v35 =	vpop (erf)  }
0x309: {  	p2 =	slt.u32 s17, $0x18;
	v41 =	vor.u32 s6, v6;
	s6 =	sadd.s32 $0xD, s0;
	v42 =	vor.u32 s7, v6;
	v43 =	vpop (erf);
	v7 =	vmul.f32 v18, v7  }
0x30a: {  	v18 =	vor.u32 s2, v6;
	v44 =	vor.u32 s5, v6;
	v46 =	vsub.f32 $1.000000000e+00, v35;
	v45 =	vpop (erf)  }
0x30b: {  	s0 =	sadd.s32 $0xF, s0;
	v45 =	vsub.f32 $1.000000000e+00, v45;
	(erf) = vpow2.f32 v32;
	v32 =	vpop (erf);
	v50 =	vadd.f32 v7, v9  }
0x30c: {  	v47 =	vor.u32 s6, v6;
	v48 =	vor.u32 s0, v6;
	v9 =	vnsel vm2, $0x3F800000, v46;
	v35 =	vpop (erf)  }
0x30d: {  	v28 =	vmul.f32 v32, v28;
	v46 =	vld.idx.msk [tilespmem:v39+s23+$0x0], $0xffff;
	v45 =	vnsel vm5, $0x3F800000, v45;
	v32 =	vpop (erf);
	v38 =	vadd.f32 v38, v50  }
0x30e: {  	v7 =	vmovc v15;
	v49 =	vld.idx.msk [tilespmem:v42+s23+$0x0], $0xffff;
	v25 =	vmul.f32 v45, v25;
	v45 =	vmul.f32 v9, v19;
	v19 =	vmov v24  }
0x30f: {  	v21 =	vmul.f32 v40, v21;
	v50 =	vmul.f32 $1.442695020e+00, v28;
	v15 =	vld.idx.msk [tilespmem:v41+s23+$0x0], $0xffff;
	v24 =	vadd.f32 v36, v38  }
0x310: {  	vm14 =	vmmov vm4;
	v43 =	vmul.f32 v43, v22;
	v36 =	vld.idx.msk [tilespmem:v26+s23+$0x0], $0xffff;
	v9 =	vmul.f32 v25, v23;
	v22 =	vpop (erf)  }
0x311: {  	v23 =	vld.idx.msk [tilespmem:v47+s23+$0x0], $0xffff;
	v14 =	vmul.f32 v22, v14;
	v40 =	vadd.f32 v37, v24;
	v24 =	vmul.f32 v45, v34  }
0x312: {  	vm13 =	vmmov vm8;
	v21 =	vmul.f32 $1.442695020e+00, v21;
	v37 =	vld.idx.msk [tilespmem:v39+s24+$0x0], $0xffff;
	(erf) = vpow2.f32 v27  }
0x313: {  	v27 =	vmul.f32 v46, v46;
	v28 =	vld.idx.msk [tilespmem:v18+s23+$0x0], $0xffff;
	v14 =	vmul.f32 $1.442695020e+00, v14;
	v38 =	vadd.f32 v24, v40  }
0x314: {  	vm6 =	vmmov vm9;
	v25 =	vld.idx.msk [tilespmem:v18+s24+$0x0], $0xffff;
	v18 =	vmul.f32 v49, v49;
	(erf) = vrcp.f32 v49;
	v22 =	vpop (erf)  }
0x315: {  	v34 =	vmul.f32 $4.725898060e-02, v27;
	v45 =	vld.idx.msk [tilespmem:v47+s24+$0x0], $0xffff;
	v22 =	vsub.f32 $1.000000000e+00, v22;
	(erf) = vpow2.f32 v14  }
0x316: {  	vm2 =	vmmov vm7;
	v14 =	vmul.f32 v36, v36;
	v47 =	vld.idx.msk [tilespmem:v26+s24+$0x0], $0xffff;
	(erf) = vrcp.f32 v15  }
0x317: {  	vm15 =	vlt.f32 v34, $1.000000000e+00;
	v24 =	vadd.f32 $-1.000000000e+00, v34;
	v42 =	vld.idx.msk [tilespmem:v42+s24+$0x0], $0xffff;
	(erf) = vrcp.f32 v23  }
0x318: {  	v27 =	vmul.f32 $4.725898060e-02, v14;
	v22 =	vnsel vm11, $0x3F800000, v22;
	v40 =	vld.idx.msk [tilespmem:v44+s23+$0x0], $0xffff;
	(erf) = vrcp.f32 v46  }
0x319: {  	v14 =	vmul.f32 $4.725898060e-02, v18;
	v26 =	vnsel vm15, $0xBF800000, v24;
	v24 =	vmul.f32 v28, v28;
	v44 =	vld.idx.msk [tilespmem:v44+s24+$0x0], $0xffff  }
0x31a: {  	v49 =	vmul.f32 v23, v23;
	v39 =	vadd.f32 $-1.000000000e+00, v27;
	v41 =	vld.idx.msk [tilespmem:v41+s24+$0x0], $0xffff;
	(erf) = vrcp.f32 v28  }
0x31b: {  	vm0 =	vlt.f32 v14, $1.000000000e+00;
	v46 =	vmul.f32 $4.725898060e-02, v24;
	v24 =	vld.idx.msk [tilespmem:v48+s24+$0x0], $0xffff;
	(erf) = vrcp.f32 v26;
	v23 =	vpop (erf)  }
0x31c: {  	v52 =	vmul.f32 v15, v15;
	vm10 =	vlt.f32 v27, $1.000000000e+00;
	(erf) = vpow2.f32 v21  }
0x31d: {  	v28 =	vmul.f32 v22, v31;
	v54 =	vadd.f32 $-1.000000000e+00, v46;
	v21 =	vmul.f32 $4.725898060e-02, v49;
	v48 =	vld.idx.msk [tilespmem:v48+s23+$0x0], $0xffff;
	v18 =	vpop (erf)  }
0x31e: {  	v22 =	vmul.f32 $4.725898060e-02, v52;
	vm5 =	vlt.f32 v46, $1.000000000e+00;
	v31 =	vmul.f32 v40, v40;
	v49 =	vpop (erf)  }
0x31f: {  	v51 =	vadd.f32 $-1.000000000e+00, v14;
	v52 =	vmul.f32 v28, v8;
	v53 =	vnsel vm5, $0xBF800000, v54;
	v15 =	vpop (erf)  }
0x320: {  	vm4 =	vlt.f32 v21, $1.000000000e+00;
	(erf) = vrcp.f32 v53;
	v26 =	vpop (erf);
	v53 =	vmul.f32 v33, v16  }
0x321: {  	v28 =	vmul.f32 $4.725898060e-02, v31;
	v33 =	vnsel vm0, $0xBF800000, v51;
	v8 =	vpop (erf);
	(erf) = vpow2.f32 v50  }
0x322: {  	v31 =	vnsel vm10, $0xBF800000, v39;
	v16 =	vsub.f32 $1.000000000e+00, v23;
	v50 =	vadd.f32 $-1.000000000e+00, v22  }
0x323: {  	v43 =	vmul.f32 $1.442695020e+00, v43;
	v39 =	vadd.f32 $-1.000000000e+00, v21;
	v51 =	vmul.f32 v48, v48;
	v23 =	vpop (erf)  }
0x324: {  	v54 =	vadd.f32 $-1.000000000e+00, v28;
	v57 =	vnsel vm12, $0x3F800000, v16;
	v55 =	vpop (erf);
	v56 =	vld.idx.msk [tilespmem:v20+s4+$0x0], $0xffff;
	(erf) = vrcp.f32 v11  }
0x325: {  	v58 =	vnsel vm4, $0xBF800000, v39;
	v16 =	vmul.f32 $4.725898060e-02, v51;
	v51 =	vmul.f32 $1.442695020e+00, v53;
	v53 =	vpop (erf)  }
0x326: {  	vm8 =	vlt.f32 v28, $1.000000000e+00;
	v20 =	vmovc v47;
	v11 =	vmovc v48;
	v39 =	vmul.f32 v55, v34;
	(erf) = vpow2.f32 v43  }
0x327: {  	vm9 =	vlt.f32 v22, $1.000000000e+00;
	vm7 =	vlt.f32 v16, $1.000000000e+00;
	v34 =	vadd.f32 $-1.000000000e+00, v16;
	v43 =	vld.idx.msk [tilespmem:v10+s4+$0x0], $0xffff;
	v10 =	vmovc v45  }
0x328: {  	v45 =	vnsel vm8, $0xBF800000, v54;
	(erf) = vrcp.f32 v31;
	v31 =	vsub.f32 $1.000000000e+00, v53  }
0x329: {  	v49 =	vsub.f32 $1.000000000e+00, v49;
	v34 =	vnsel vm7, $0xBF800000, v34;
	v47 =	vpop (erf);
	(erf) = vrcp.f32 v58;
	v48 =	vld.idx.msk [tilespmem:v12+s4+$0x0], $0xffff  }
0x32a: {  	v46 =	vmul.f32 v47, v46;
	v47 =	vmul.f32 v57, v56;
	v53 =	vld.idx.msk [tilespmem:v13+s4+$0x0], $0xffff;
	v31 =	vnsel vm14, $0x3F800000, v31;
	v12 =	vpop (erf)  }
0x32b: {  	v50 =	vnsel vm9, $0xBF800000, v50;
	v13 =	vmovc v44;
	(erf) = vrcp.f32 v34;
	v54 =	vsub.f32 $1.000000000e+00, v12;
	v12 =	vmovc v42  }
0x32c: {  	vm11 =	vmmov vm15;
	v42 =	vmul.f32 $1.442695020e+00, v46;
	(erf) = vpow2.f32 v51  }
0x32d: {  	v46 =	vmul.f32 v31, v43;
	(erf) = vrcp.f32 v50;
	v44 =	vnsel vm13, $0x3F800000, v54;
	v34 =	vpop (erf)  }
.Ltmp10:
0x32e: {  	v43 =	vnsel vm3, $0x3F800000, v49;
	(erf) = vpow2.f32 v42;
	v42 =	vmul.f32 v47, v35;
	v35 =	vld.idx.msk [tilespmem:v17+s4+$0x0], $0xffff;
	v17 =	vmovc v41;
	(pc) =	sbr.rel @p2 .LBB2_16-.Ltmp10, $4  }
0x32f: {  	vm3 =	vmmov vm0;
	v31 =	vld.idx.msk [tilespmem:v37+s4+$0x0], $0xffff;
	(erf) = vrcp.f32 v45;
	v37 =	vmul.f32 v43, v48;
	v41 =	vpop (erf)  }
0x330: {  	v44 =	vmul.f32 v44, v53;
	(erf) = vrcp.f32 v36;
	v38 =	vadd.f32 v42, v38  }
0x331: {  	v42 =	vsub.f32 $1.000000000e+00, v41;
	v36 =	vmul.f32 v46, v30;
	v43 =	vpop (erf);
	(erf) = vrcp.f32 v40  }
0x332: {  	v37 =	vmul.f32 v37, v29;
	v40 =	vpop (erf);
	v41 =	vadd.f32 v52, v38;
	v38 =	vmul.f32 v44, v32  }
0x333: {  	(erf) = vrcp.f32 v33;
	_ =	sdelay $0x1  }
0x334: {  	v29 =	vpop (erf)  }
0x335: {  	v30 =	vpop (erf)  }
0x336: {  	v32 =	vpop (erf)  }
0x337: {  	v59 =	vpop (erf)  }
0x338: {  	v44 =	vpop (erf)  }
0x339: {  	v27 =	vmul.f32 v43, v27;
	v45 =	vpop (erf)  }
0x33a: {  	v39 =	vmul.f32 $1.442695020e+00, v39;
	v60 =	vpop (erf)  }
0x33b: {  	v27 =	vmul.f32 $1.442695020e+00, v27;
	v61 =	vpop (erf)  }
0x33c: {  	(erf) = vpow2.f32 v39;
	v14 =	vmul.f32 v61, v14  }
0x33d: {  	v21 =	vmul.f32 v40, v21;
	(erf) = vpow2.f32 v27  }
0x33e: {  	v28 =	vmul.f32 v44, v28;
	v14 =	vmul.f32 $1.442695020e+00, v14  }
0x33f: {  	v21 =	vmul.f32 $1.442695020e+00, v21;
	v22 =	vmul.f32 v32, v22  }
0x340: {  	v62 =	vnsel vm6, $0x3F800000, v42;
	v28 =	vmul.f32 $1.442695020e+00, v28;
	(erf) = vpow2.f32 v14  }
0x341: {  	v63 =	vmul.f32 v62, v35;
	(erf) = vpow2.f32 v21  }
0x342: {  	v27 =	vmul.f32 $1.442695020e+00, v22;
	(erf) = vpow2.f32 v28  }
0x343: {  	v9 =	vadd.f32 v9, v41;
	v7 =	vmul.f32 v63, v7;
	(erf) = vrcp.f32 v11  }
0x344: {  	v28 =	vld.idx.msk [tilespmem:v19+s4+$0x0], $0xffff;
	(erf) = vpow2.f32 v27  }
0x345: {  	v7 =	vadd.f32 v7, v9  }
0x346: {  	v35 =	vld.idx.msk [tilespmem:v20+s4+$0x0], $0xffff;
	v30 =	vsub.f32 $1.000000000e+00, v30;
	v32 =	vpop (erf)  }
0x347: {  	vm0 =	vmmov vm10;
	v40 =	vld.idx.msk [tilespmem:v25+s4+$0x0], $0xffff;
	v16 =	vmul.f32 v29, v16;
	v7 =	vadd.f32 v38, v7;
	v39 =	vpop (erf)  }
0x348: {  	v9 =	vnsel vm2, $0x3F800000, v30;
	v41 =	vsub.f32 $1.000000000e+00, v59;
	v20 =	vsub.f32 $1.000000000e+00, v39  }
0x349: {  	v16 =	vmul.f32 $1.442695020e+00, v16;
	v7 =	vadd.f32 v36, v7;
	v9 =	vmul.f32 v9, v28;
	v42 =	vpop (erf)  }
0x34a: {  	v22 =	vnsel vm5, $0x3F800000, v41;
	v14 =	vsub.f32 $1.000000000e+00, v32;
	v20 =	vnsel vm0, $0x3F800000, v20;
	v44 =	vpop (erf)  }
0x34b: {  	v7 =	vadd.f32 v37, v7;
	v19 =	vmul.f32 v20, v35;
	v9 =	vmul.f32 v9, v34;
	v46 =	vpop (erf)  }
0x34c: {  	v17 =	vld.idx.msk [tilespmem:v17+s4+$0x0], $0xffff;
	v21 =	vmul.f32 v22, v40;
	v14 =	vnsel vm11, $0x3F800000, v14;
	(erf) = vpow2.f32 v16;
	v47 =	vpop (erf)  }
0x34d: {  	v48 =	vmul.f32 v14, v31;
	v49 =	vmul.f32 v19, v45;
	v7 =	vadd.f32 v9, v7;
	v50 =	vpop (erf)  }
0x34e: {  	v13 =	vld.idx.msk [tilespmem:v13+s4+$0x0], $0xffff;
	vm2 =	vmmov vm4;
	vm0 =	vmmov vm9;
	v19 =	vsub.f32 $1.000000000e+00, v50  }
0x34f: {  	v10 =	vld.idx.msk [tilespmem:v10+s4+$0x0], $0xffff;
	v51 =	vmul.f32 v21, v23;
	v8 =	vmul.f32 v48, v8;
	v7 =	vadd.f32 v49, v7  }
0x350: {  	v53 =	vsub.f32 $1.000000000e+00, v44;
	v52 =	vsub.f32 $1.000000000e+00, v46;
	v19 =	vnsel vm0, $0x3F800000, v19  }
0x351: {  	v7 =	vadd.f32 v8, v7;
	vm0 =	vmmov vm8;
	v8 =	vmul.f32 v19, v17  }
0x352: {  	v12 =	vld.idx.msk [tilespmem:v12+s4+$0x0], $0xffff;
	v55 =	vnsel vm2, $0x3F800000, v53;
	v14 =	vnsel vm0, $0x3F800000, v52  }
0x353: {  	v7 =	vadd.f32 v51, v7;
	v13 =	vmul.f32 v14, v13;
	v8 =	vmul.f32 v8, v15  }
0x354: {  	v56 =	vld.idx.msk [tilespmem:v24+s4+$0x0], $0xffff;
	v54 =	vsub.f32 $1.000000000e+00, v42;
	v10 =	vmul.f32 v55, v10  }
0x355: {  	v58 =	vpop (erf);
	v57 =	vmul.f32 v13, v60;
	v7 =	vadd.f32 v8, v7  }
0x356: {  	v59 =	vsub.f32 $1.000000000e+00, v58;
	v10 =	vmul.f32 v10, v26;
	v8 =	vnsel vm3, $0x3F800000, v54  }
0x357: {  	vm0 =	vmmov vm7;
	v8 =	vmul.f32 v8, v12;
	v7 =	vadd.f32 v57, v7  }
0x358: {  	v9 =	vnsel vm0, $0x3F800000, v59  }
0x359: {  	s0 =	sshll.u32 s3, $0x4;
	v9 =	vmul.f32 v9, v56;
	v8 =	vmul.f32 v8, v18;
	v7 =	vadd.f32 v10, v7  }
0x35a: {  	v60 =	vld.idx.msk [tilespmem:v3+s0+$0x0 ss:$0x1], $0xffff  }
0x35b: {  	v7 =	vadd.f32 v8, v7;
	v8 =	vmul.f32 v9, v47  }
0x35c: {  	s2 =	sor.u32 $0x1, s0  }
0x35d: {  	v61 =	vadd.s32 s2, v5;
	v7 =	vadd.f32 v8, v7  }
0x35e: {  	v8 =	vmin.u32 v61, $0x18F  }
0x35f: {  	v7 =	vmul.f32 v60, v7;
	_ =	sdelay $0x1  }
0x360: {  	v7 =	vmul.f32 $7.199822900e+00, v7  }
0x361: {  	v62 =	vld [tilespmem:s0+$0x18D80]  }
0x362: {  	(xrf2) =	vadd.scan.msk.f32 $0xffff, v7;
	v7 =	vld.idx.msk [tilespmem:v8+s25+$0x0], $0xffff;
	_ =	sdelay $0x4  }
0x363: {  	vm2 =	vcmask $0x3F3C;
	vm0 =	vne.s32 v62, v7  }
0x364: {  	vm2 =	vmor vm0, vm2  }
0x365: {  	s3 =	sadd.s32 $0x1, s3;
	vm0 =	vmand vm0, vm1  }
0x366: {  	p2 =	sne.s32 s3, $0x19  }
.Ltmp11:
0x367: {  	_ = 	snop;
	(pc) =	sbr.rel @p2 .LBB2_15-.Ltmp11, $4  }
.Ltmp12:
0x368: {  	v8, _, _ =	vpop (xrf2);
	(pc) =	sbr.rel @!p2 .LBB2_18-.Ltmp12, $4  }
0x369: {  	v63 =	vsub.f32 $0.0e+00, v8  }
0x36a: {  	[tilespmem:v62+s29+$0x0] =	vst.idx.add.f32.msk vm2, v8  }
0x36b: {  	s1 =	sadd.s32 $0x200, s1;
	[tilespmem:v7+s29+$0x0] =	vst.idx.add.f32.msk vm0, v63  }
0x36c: {  	_ = 	snop  }
.LBB2_19:
0x36d: {  	s0 =	simm.s32 $0x19180;
	s1 =	rddreg [dreg:$0x6]  }
0x36e: {  	[tilespmem:s0], [sflag:$0x4] =	stream.linear.gather [spmem:s1], $0x2000, $0x38;
	[tilespmem:$0x1BFB8] =	vst v63  }
0x36f: {  	_ =	swait.ge [sflag:s26], $0x2000  }
0x370: {  	s7 =	simm.s32 $0x0;
	[sflag:s26] =	ssyncset.done $0x0  }
0x371: {  	s1 =	sand.u32 $0x1F0, s7;
	[sflag:s26] =	ssyncadd.s32 $0xFFFFE000  }
0x372: {  	v7 =	vld [tilespmem:s1+$0x19380]  }
0x373: {  	v8 =	vld [tilespmem:s0+$0x0];
	_ =	sdelay $0x1  }
0x374: {  	v9 =	vld [tilespmem:s1+$0x19580];
	_ =	sdelay $0x1  }
0x375: {  	v10 =	vld [tilespmem:s1+$0x19780]  }
0x376: {  	v7 =	vadd.f32 v7, v8  }
0x377: {  	v8 =	vld [tilespmem:s1+$0x19980]  }
0x378: {  	v7 =	vadd.f32 v9, v7  }
0x379: {  	v56 =	vld [tilespmem:s1+$0x19B80]  }
0x37a: {  	v7 =	vadd.f32 v10, v7  }
0x37b: {  	v57 =	vld [tilespmem:s1+$0x19D80]  }
0x37c: {  	v7 =	vadd.f32 v8, v7  }
0x37d: {  	v8 =	vld [tilespmem:s1+$0x19F80]  }
0x37e: {  	v7 =	vadd.f32 v56, v7  }
0x37f: {  	v58 =	vld [tilespmem:s1+$0x1A180]  }
0x380: {  	v7 =	vadd.f32 v57, v7  }
0x381: {  	v59 =	vld [tilespmem:s1+$0x1A380]  }
0x382: {  	v7 =	vadd.f32 v8, v7  }
0x383: {  	v8 =	vld [tilespmem:s1+$0x1A580]  }
0x384: {  	v7 =	vadd.f32 v58, v7  }
0x385: {  	v60 =	vld [tilespmem:s1+$0x1A780]  }
0x386: {  	v7 =	vadd.f32 v59, v7  }
0x387: {  	v61 =	vld [tilespmem:s1+$0x1A980]  }
0x388: {  	v7 =	vadd.f32 v8, v7  }
0x389: {  	v8 =	vld [tilespmem:s1+$0x1AB80]  }
0x38a: {  	v7 =	vadd.f32 v60, v7  }
0x38b: {  	v62 =	vld [tilespmem:s1+$0x1AD80]  }
0x38c: {  	v7 =	vadd.f32 v61, v7  }
0x38d: {  	v63 =	vld [tilespmem:s1+$0x1AF80]  }
0x38e: {  	v7 =	vadd.f32 v8, v7;
	_ =	sdelay $0x1  }
0x38f: {  	v7 =	vadd.f32 v62, v7;
	_ =	sdelay $0x1  }
0x390: {  	v7 =	vadd.f32 v63, v7  }
0x391: {  	s17 =	simm.s32 $0x10;
	s1 =	simm.s32 $0x18F80  }
0x392: {  	s3 =	sand.u32 $0x1F0, s17;
	[tilespmem:s1+$0x0] =	vst v7  }
0x393: {  	s17 =	simm.s32 $0x19190;
	s0 =	simm.s32 $0x20;
	v7 =	vld [tilespmem:s3+$0x19380]  }
.LBB2_20:
0x394: {  	p2 =	sne.s32 s0, $0x1F0;
	v8 =	vld [tilespmem:s17+$0x0];
	_ =	sdelay $0x1  }
0x395: {  	v9 =	vld [tilespmem:s3+$0x19580];
	_ =	sdelay $0x1  }
0x396: {  	v10 =	vld [tilespmem:s3+$0x19780]  }
0x397: {  	v7 =	vadd.f32 v7, v8  }
0x398: {  	v8 =	vld [tilespmem:s3+$0x19980]  }
0x399: {  	v7 =	vadd.f32 v9, v7  }
0x39a: {  	v9 =	vld [tilespmem:s3+$0x19B80]  }
0x39b: {  	v7 =	vadd.f32 v10, v7  }
0x39c: {  	v10 =	vld [tilespmem:s3+$0x19D80]  }
0x39d: {  	v7 =	vadd.f32 v8, v7  }
0x39e: {  	v8 =	vld [tilespmem:s3+$0x19F80]  }
0x39f: {  	v7 =	vadd.f32 v9, v7  }
0x3a0: {  	v9 =	vld [tilespmem:s3+$0x1A180]  }
0x3a1: {  	v7 =	vadd.f32 v10, v7  }
0x3a2: {  	v10 =	vld [tilespmem:s3+$0x1A380]  }
0x3a3: {  	v7 =	vadd.f32 v8, v7  }
0x3a4: {  	v8 =	vld [tilespmem:s3+$0x1A580]  }
0x3a5: {  	v7 =	vadd.f32 v9, v7  }
0x3a6: {  	v9 =	vld [tilespmem:s3+$0x1A780]  }
0x3a7: {  	v7 =	vadd.f32 v10, v7  }
0x3a8: {  	v10 =	vld [tilespmem:s3+$0x1A980]  }
0x3a9: {  	v7 =	vadd.f32 v8, v7  }
0x3aa: {  	v8 =	vld [tilespmem:s3+$0x1AB80]  }
0x3ab: {  	v7 =	vadd.f32 v9, v7  }
0x3ac: {  	v9 =	vld [tilespmem:s3+$0x1AD80]  }
0x3ad: {  	v7 =	vadd.f32 v10, v7  }
0x3ae: {  	v10 =	vld [tilespmem:s3+$0x1AF80]  }
0x3af: {  	v7 =	vadd.f32 v8, v7;
	_ =	sdelay $0x1  }
0x3b0: {  	v7 =	vadd.f32 v9, v7  }
.Ltmp13:
0x3b1: {  	(pc) =	sbr.rel @p2 .LBB2_20-.Ltmp13, $4  }
0x3b2: {  	v7 =	vadd.f32 v10, v7  }
0x3b3: {  	s1 =	sadd.s32 $0x10, s1  }
0x3b4: {  	s3 =	sand.u32 $0x1F0, s0;
	[tilespmem:s1+$0x0] =	vst v7  }
0x3b5: {  	s17 =	sadd.s32 $0x10, s17;
	s0 =	sadd.s32 $0x10, s0;
	v7 =	vld [tilespmem:s3+$0x19380]  }
0x3b6: {  	v8 =	vld [tilespmem:s17+$0x0];
	_ =	sdelay $0x1  }
0x3b7: {  	v9 =	vld [tilespmem:s3+$0x19580];
	_ =	sdelay $0x1  }
0x3b8: {  	v10 =	vld [tilespmem:s3+$0x19780]  }
0x3b9: {  	v7 =	vadd.f32 v7, v8  }
0x3ba: {  	v8 =	vld [tilespmem:s3+$0x19980]  }
0x3bb: {  	v7 =	vadd.f32 v9, v7  }
0x3bc: {  	v56 =	vld [tilespmem:s3+$0x19B80]  }
0x3bd: {  	v7 =	vadd.f32 v10, v7  }
0x3be: {  	v57 =	vld [tilespmem:s3+$0x19D80]  }
0x3bf: {  	v7 =	vadd.f32 v8, v7  }
0x3c0: {  	v8 =	vld [tilespmem:s3+$0x19F80]  }
0x3c1: {  	v7 =	vadd.f32 v56, v7  }
0x3c2: {  	v58 =	vld [tilespmem:s3+$0x1A180]  }
0x3c3: {  	v7 =	vadd.f32 v57, v7  }
0x3c4: {  	v59 =	vld [tilespmem:s3+$0x1A380]  }
0x3c5: {  	v7 =	vadd.f32 v8, v7  }
0x3c6: {  	v8 =	vld [tilespmem:s3+$0x1A580]  }
0x3c7: {  	v7 =	vadd.f32 v58, v7  }
0x3c8: {  	v60 =	vld [tilespmem:s3+$0x1A780]  }
0x3c9: {  	v7 =	vadd.f32 v59, v7  }
0x3ca: {  	v61 =	vld [tilespmem:s3+$0x1A980]  }
0x3cb: {  	v7 =	vadd.f32 v8, v7  }
0x3cc: {  	v8 =	vld [tilespmem:s3+$0x1AB80]  }
0x3cd: {  	v7 =	vadd.f32 v60, v7  }
0x3ce: {  	v62 =	vld [tilespmem:s3+$0x1AD80]  }
0x3cf: {  	v7 =	vadd.f32 v61, v7  }
0x3d0: {  	v63 =	vld [tilespmem:s3+$0x1AF80]  }
0x3d1: {  	v7 =	vadd.f32 v8, v7;
	_ =	sdelay $0x1  }
0x3d2: {  	v7 =	vadd.f32 v62, v7;
	_ =	sdelay $0x1  }
0x3d3: {  	v7 =	vadd.f32 v63, v7  }
0x3d4: {  	s0 =	sadd.s32 $0x10, s1;
	s7 =	rddreg [dreg:$0xb]  }
.Ltmp14:
0x3d5: {  	s17 =	simm.s32 $0x80;
	s2 =	simm.s32 $0x100;
	[tilespmem:s0+$0x0] =	vst v7;
	(pc) =	sbr.rel .LBB2_22-.Ltmp14, $4  }
0x3d6: {  	[hbm4b:s7+s17] =	stream.strided.scatter [tilespmem:s29], [sflag:$0x4], $0x200, s2, s17, $0x38;
	[tilespmem:$0x1BFB8] =	vst v63  }
0x3d7: {  	_ =	swait.ge [sflag:s26], $0x200  }
0x3d8: {  	[sflag:s26] =	ssyncset.done $0x0  }
0x3d9: {  	[sflag:s26] =	ssyncadd.s32 $0xFFFFFE00  }
.LBB2_23:
0x3da: {  	_ =	sfence.sel $0x180000  }
0x3db: {  	[bflag:$0x0] =	sbarrier.arrive $0xFFFF  }
0x3dc: {  	_ =	strace $0x90000047  }
0x3dd: {  	[bflag:$0x2] =	sbarrier.arrive $0xFFFF  }
0x3de: {  	s0 =	rddreg [dreg:$0x7]  }
0x3df: {  	s0 =	sadd.s32 @!p0 $0x100000, s0  }
0x3e0: {  	[sflag:s0] =	ssyncadd.tile.s32 @!p0 $0x1;
	_ =	shalt  }
.Lfunc_end2:
_tile_overlayer_lowered:
.L_overlay_start_2:
0x3e1: {  	(tag) =	ssettag $0x2  }
0x3e2: {  	s0 =	rddreg [dreg:$0x0];
	s2 =	stileid.u32  }
0x3e3: {  	s1 =	rddreg [dreg:$0x1];
	p0 =	sne.s32 s2, $0x0  }
0x3e4: {  	s3 =	rddreg [dreg:$0x2];
	[bflag:$0x3] =	sbarrier.arrive $0xFFFF;
	s2 =	simm.s32 @!p0 $0x1C04  }
0x3e5: {  	[timem:s3], [sflag:s2] =	dma.local @!p0 [hbm:s0], s1  }
0x3e6: {  	s0 =	simm.s32 @!p0 $0x4  }
0x3e7: {  	_ =	swait.ge @!p0 [sflag:s0], s1  }
0x3e8: {  	s1 =	ssub.s32 @!p0 $0x0, s1;
	[sflag:s0] =	ssyncset.done @!p0 $0x0  }
0x3e9: {  	[sflag:s0] =	ssyncadd.s32 @!p0 s1  }
0x3ea: {  	[bflag:$0x3] =	sbarrier.arrive $0xFFFF  }
0x3eb: {  	_ =	shalt  }

</sc_bundles>
